<compile_context>
chip_gen: v7x
topology: tpu7x:2x2x1
jax: 0.10.2.dev20260603
libtpu: 0.0.44.dev20260713+nightly
codegen_flags: <defaults>
</compile_context>

<pallas_src>
import math

import jax
import jax.numpy as jnp
from jax.experimental import pallas as pl
from jax.experimental.pallas import tpu as pltpu

_B = 2; _S = 2048; _D = 512; _H = 8; _HD = 64; _FF = 2048; _WIN = 128; _L = 2
_VOCAB = 260; _Q = 512; _K = 512; _BETA = 0.25; _DELTA = 0.0
_XPREC = jax.lax.Precision.HIGHEST
_NEG = -1e9


def _tdot(a, b, dims):
    return jax.lax.dot_general(a.astype(jnp.bfloat16), b.astype(jnp.bfloat16),
                               dims, preferred_element_type=jnp.float32)



def _ln(x):
    m = x.mean(-1, keepdims=True)
    v = ((x - m) ** 2).mean(-1, keepdims=True)
    return (x - m) / jnp.sqrt(v + 1e-5)


def _xfmr_block(x, Wqkv, Wo, Wf1, Wf2, g1, b1, g2, b2, bias):
    h = _ln(x) * g1 + b1
    qkv = h @ Wqkv
    q, k, v = jnp.split(qkv, 3, axis=-1)
    def heads(t):
        return t.reshape(_B, _S, _H, _HD).transpose(0, 2, 1, 3)
    q, k, v = heads(q), heads(k), heads(v)
    sc = q @ k.transpose(0, 1, 3, 2) / math.sqrt(_HD) + bias
    a = jax.nn.softmax(sc, axis=-1)
    o = (a @ v).transpose(0, 2, 1, 3).reshape(_B, _S, _D)
    x = x + o @ Wo
    h2 = _ln(x) * g2 + b2
    x = x + jax.nn.gelu(h2 @ Wf1) @ Wf2
    return x


def _xfmr_stack(x, p, pre, bias):
    for i in range(_L):
        x = _xfmr_block(x, p[pre + '_Wqkv'][i], p[pre + '_Wo'][i],
                        p[pre + '_W1'][i], p[pre + '_W2'][i],
                        p[pre + '_g1'][i], p[pre + '_b1'][i],
                        p[pre + '_g2'][i], p[pre + '_b2'][i], bias)
    return x



_BQ = _B * _Q


def _vq_body(pooled_ref, pn_ref, cbn_ref, cb_ref, m_ref,
             st_ref, idx_ref, part_ref, cnt_ref):
    pooled = pooled_ref[...]
    cb = cb_ref[...]
    pcT = _tdot(cb, pooled, (((1,), (1,)), ((), ())))
    d2T = (pn_ref[...] - 2.0 * pcT) + cbn_ref[...]
    dminT = jnp.min(d2T, axis=0, keepdims=True)
    iota_k = jax.lax.broadcasted_iota(jnp.int32, (_K, _BQ), 0)
    idxr = jnp.min(jnp.where(d2T == dminT, iota_k, _K),
                   axis=0, keepdims=True)
    idx_ref[...] = idxr
    ohT = (iota_k == idxr).astype(jnp.float32)
    qv = jax.lax.dot_general(ohT, cb, (((0,), (0,)), ((), ())),
                             precision=_XPREC)
    st_ref[...] = pooled + (qv - pooled)
    m = m_ref[...]
    dsq = (pooled - qv) ** 2
    cl_sum = jnp.sum(jnp.sum(dsq, axis=1, keepdims=True)
                     * m.reshape(_BQ, 1))
    lane128 = jax.lax.broadcasted_iota(jnp.int32, (1, 128), 1)
    part_ref[...] = jnp.where(lane128 == 0, cl_sum, 0.0)
    cnt_ref[...] = jax.lax.dot_general(m, ohT, (((1,), (1,)), ((), ())),
                                       precision=_XPREC)


def _vq(pooled, pn_row, cbn_col, cb, m_row):
    return pl.pallas_call(
        _vq_body,
        out_shape=(
            jax.ShapeDtypeStruct((_BQ, _D), jnp.float32),
            jax.ShapeDtypeStruct((1, _BQ), jnp.int32),
            jax.ShapeDtypeStruct((1, 128), jnp.float32),
            jax.ShapeDtypeStruct((1, _K), jnp.float32),
        ),
    )(pooled, pn_row, cbn_col, cb, m_row)


def kernel(params, input_sequence, key_padding_mask):
    p = params
    kpm = key_padding_mask
    tokens = input_sequence
    x = p['emb'][tokens]
    ii = jnp.arange(_S)[:, None]; jj = jnp.arange(_S)[None, :]
    allowed = (jj <= ii) & ((ii - jj) < _WIN)
    bias = (jnp.where(allowed, 0.0, -1e9)[None, None, :, :]
            + jnp.where(kpm, -1e9, 0.0)[:, None, None, :])
    e = _xfmr_stack(x, p, 'ent', bias)
    mu = e @ p['Wmu'] + p['bmu']
    logvar = jnp.clip(e @ p['Wlv'] + p['blv'], -8.0, 8.0)
    tgt = jax.lax.stop_gradient(x)
    const = 0.5 * math.log(2 * math.pi)
    nll = (0.5 * ((tgt[:, 1:] - mu[:, :-1]) ** 2 * jnp.exp(-logvar[:, :-1])
                  + logvar[:, :-1]) + const)
    bpd = (nll / math.log(2.0)).mean(-1)
    entropy = jnp.concatenate([bpd[:, :1], bpd], axis=1)
    ent_loss = entropy.mean()
    c = _xfmr_stack(x, p, 'comp', bias)
    start = jnp.concatenate(
        [jnp.ones((_B, 1), bool), entropy[:, 1:] > entropy[:, :-1] + _DELTA],
        axis=1)
    seg_id = jnp.cumsum(start.astype(jnp.int32), axis=1) - 1
    n_seg = jnp.minimum(seg_id[:, -1] + 1, _Q)
    seg_id = jnp.clip(seg_id, 0, _Q - 1)
    token_valid = ~kpm
    seg_flat = (seg_id + jnp.arange(_B)[:, None] * _Q).reshape(-1)
    xs_flat = c.reshape(-1, _D)
    scores = (c @ p['query']) / math.sqrt(_D)
    scores = jnp.where(token_valid, scores, -1e9).reshape(-1)
    smax = jax.ops.segment_max(scores, seg_flat, num_segments=_B * _Q)
    w = jnp.exp(scores - smax[seg_flat]) * token_valid.reshape(-1)
    denom = jax.ops.segment_sum(w, seg_flat, num_segments=_B * _Q)
    pooled = (jax.ops.segment_sum(w[:, None] * xs_flat, seg_flat,
                                  num_segments=_B * _Q)
              / (denom[:, None] + 1e-9))
    C = p['codebook']
    pn_row = jnp.sum(pooled ** 2, -1, keepdims=True).reshape(1, _BQ)
    cbn_col = jnp.sum(C ** 2, -1).reshape(_K, 1)
    valid_mask = jnp.arange(_Q)[None, :] < n_seg[:, None]
    m_row = valid_mask.astype(jnp.float32).reshape(1, _BQ)

    st2, idxr, part, cnt = _vq(pooled, pn_row, cbn_col, C, m_row)

    st = st2.reshape(_B, _Q, _D)
    idx = idxr.reshape(_B, _Q)
    nvalid = jnp.maximum(m_row.sum(), 1.0)
    codebook_loss = part[0, 0] / nvalid
    commit_loss = codebook_loss
    vq_loss = codebook_loss + _BETA * commit_loss
    avg = cnt[0, :] / nvalid
    perplexity = jnp.exp(-jnp.sum(avg * jnp.log(avg + 1e-10)))

    return (st, idx, vq_loss, perplexity, valid_mask, entropy, ent_loss)

# --- scband reference (transcript-rebuilt; emitter-appended) ---
"""Pipeline reference for scband-segment-compressor-30176440222442 (READ-ONLY COPY).

The authoritative reference and input builder live on the scoring server;
editing this copy changes nothing except your own understanding.
"""

import jax, jax.numpy as jnp
import numpy as np
import math

B = 2; S = 2048; D = 512; H = 8; HD = 64; FF = 2048; WIN = 128; L = 2
VOCAB = 260; Q = 512; K = 512; BETA = 0.25; DELTA = 0.0


def _ln(x):
    m = x.mean(-1, keepdims=True)
    v = ((x - m) ** 2).mean(-1, keepdims=True)
    return (x - m) / jnp.sqrt(v + 1e-5)


def _block(x, Wqkv, Wo, Wf1, Wf2, g1, b1, g2, b2, bias):
    h = _ln(x) * g1 + b1
    qkv = h @ Wqkv
    q, k, v = jnp.split(qkv, 3, axis=-1)
    def heads(t):
        return t.reshape(B, S, H, HD).transpose(0, 2, 1, 3)
    q, k, v = heads(q), heads(k), heads(v)
    sc = q @ k.transpose(0, 1, 3, 2) / math.sqrt(HD) + bias
    a = jax.nn.softmax(sc, axis=-1)
    o = (a @ v).transpose(0, 2, 1, 3).reshape(B, S, D)
    x = x + o @ Wo
    h2 = _ln(x) * g2 + b2
    x = x + jax.nn.gelu(h2 @ Wf1) @ Wf2
    return x


def _stack(x, p, pre, bias):
    for i in range(L):
        x = _block(x, p[pre + '_Wqkv'][i], p[pre + '_Wo'][i], p[pre + '_W1'][i], p[pre + '_W2'][i],
                   p[pre + '_g1'][i], p[pre + '_b1'][i], p[pre + '_g2'][i], p[pre + '_b2'][i], bias)
    return x


def _forward(params, tokens, kpm):
    x = params['emb'][tokens]
    ii = jnp.arange(S)[:, None]; jj = jnp.arange(S)[None, :]
    allowed = (jj <= ii) & ((ii - jj) < WIN)
    bias = jnp.where(allowed, 0.0, -1e9)[None, None, :, :] + jnp.where(kpm, -1e9, 0.0)[:, None, None, :]
    # entropy model branch (CausalGaussianCore)
    e = _stack(x, params, 'ent', bias)
    mu = e @ params['Wmu'] + params['bmu']
    logvar = jnp.clip(e @ params['Wlv'] + params['blv'], -8.0, 8.0)
    tgt = jax.lax.stop_gradient(x)
    const = 0.5 * math.log(2 * math.pi)
    nll = 0.5 * ((tgt[:, 1:] - mu[:, :-1]) ** 2 * jnp.exp(-logvar[:, :-1]) + logvar[:, :-1]) + const
    bpd = (nll / math.log(2.0)).mean(-1)
    entropy = jnp.concatenate([bpd[:, :1], bpd], axis=1)
    ent_loss = entropy.mean()
    # compression encoder branch
    c = _stack(x, params, 'comp', bias)
    # entropy-driven segmentation: boundary where entropy rises by > delta
    start = jnp.concatenate([jnp.ones((B, 1), bool), entropy[:, 1:] > entropy[:, :-1] + DELTA], axis=1)
    seg_id = jnp.cumsum(start.astype(jnp.int32), axis=1) - 1
    n_seg = jnp.minimum(seg_id[:, -1] + 1, Q)
    seg_id = jnp.clip(seg_id, 0, Q - 1)
    token_valid = ~kpm
    seg_flat = (seg_id + jnp.arange(B)[:, None] * Q).reshape(-1)
    xs_flat = c.reshape(-1, D)
    scores = (c @ params['query']) / math.sqrt(D)
    scores = jnp.where(token_valid, scores, -1e9).reshape(-1)
    smax = jax.ops.segment_max(scores, seg_flat, num_segments=B * Q)
    w = jnp.exp(scores - smax[seg_flat]) * token_valid.reshape(-1)
    denom = jax.ops.segment_sum(w, seg_flat, num_segments=B * Q)
    pooled = jax.ops.segment_sum(w[:, None] * xs_flat, seg_flat, num_segments=B * Q) / (denom[:, None] + 1e-9)
    valid_mask = jnp.arange(Q)[None, :] < n_seg[:, None]
    vflat = valid_mask.reshape(-1)
    # vector quantization with straight-through
    C = params['codebook']
    d2 = jnp.sum(pooled ** 2, -1, keepdims=True) - 2.0 * pooled @ C.T + jnp.sum(C ** 2, -1)[None, :]
    idx = jnp.argmin(d2, axis=-1)
    qv = C[idx]
    st = pooled + jax.lax.stop_gradient(qv - pooled)
    m = vflat.astype(jnp.float32)
    nvalid = jnp.maximum(m.sum(), 1.0)
    codebook_loss = (jnp.sum((jax.lax.stop_gradient(pooled) - qv) ** 2, -1) * m).sum() / nvalid
    commit_loss = (jnp.sum((pooled - jax.lax.stop_gradient(qv)) ** 2, -1) * m).sum() / nvalid
    vq_loss = codebook_loss + BETA * commit_loss
    onehot = jax.nn.one_hot(idx, K) * m[:, None]
    avg = onehot.sum(0) / nvalid
    perplexity = jnp.exp(-jnp.sum(avg * jnp.log(avg + 1e-10)))
    return (st.reshape(B, Q, D), idx.reshape(B, Q), vq_loss, perplexity, valid_mask, entropy, ent_loss)


def setup_inputs(seed: int = 0) -> dict:
    key = jax.random.key(seed)
    def nk(i, shape, scale=0.02):
        return jax.random.normal(jax.random.fold_in(key, i), shape, dtype=jnp.float32) * scale
    params = {
        'emb': nk(0, (VOCAB, D)),
        'Wmu': nk(1, (D, D)), 'bmu': jnp.zeros((D,), jnp.float32),
        'Wlv': nk(2, (D, D)), 'blv': jnp.zeros((D,), jnp.float32),
        'query': nk(3, (D,)),
        'codebook': nk(4, (K, D)),
    }
    c = 5
    for pre in ('ent', 'comp'):
        params[pre + '_Wqkv'] = nk(c, (L, D, 3 * D)); c += 1
        params[pre + '_Wo'] = nk(c, (L, D, D)); c += 1
        params[pre + '_W1'] = nk(c, (L, D, FF)); c += 1
        params[pre + '_W2'] = nk(c, (L, FF, D)); c += 1
        params[pre + '_g1'] = jnp.ones((L, D), jnp.float32)
        params[pre + '_b1'] = jnp.zeros((L, D), jnp.float32)
        params[pre + '_g2'] = jnp.ones((L, D), jnp.float32)
        params[pre + '_b2'] = jnp.zeros((L, D), jnp.float32)
    tokens = jax.random.randint(jax.random.fold_in(key, 100), (B, S), 0, VOCAB)
    kpm = jnp.zeros((B, S), dtype=bool)
    return {'params': params, 'input_sequence': tokens, 'key_padding_mask': kpm}


def reference(params, input_sequence, key_padding_mask):
    return _forward(params, input_sequence, key_padding_mask)

if __name__ == "__main__":
    import jax
    _d = setup_inputs()
    print(jax.jit(kernel)(*tuple(_d.values())))

</pallas_src>

<mosaic_0001>
module {
  func.func @main(%arg0: i32, %arg1: i32, %arg2: i32, %arg3: i32, %arg4: memref<1x1x1024x1024xf32, #tpu.memory_space<vmem>>, %arg5: memref<1x1x1024x64xf32, #tpu.memory_space<vmem>>, %arg6: memref<1x1x1024x64xf32, #tpu.memory_space<vmem>>, %arg7: memref<1x1x1024x1xf32, #tpu.memory_space<vmem>>, %arg8: memref<1x1x1024x1xf32, #tpu.memory_space<vmem>>) attributes {dimension_semantics = [#tpu.dimension_semantics<parallel>, #tpu.dimension_semantics<parallel>, #tpu.dimension_semantics<parallel>, #tpu.dimension_semantics<arbitrary>], iteration_bounds = array<i64: 2, 8, 2, 2>, scratch_operands = 2 : i64, window_params = [{transform_indices = @qk_fn, window_bounds = array<i64: 1, 1, 1024, 1024>}, {transform_indices = @v_fn, window_bounds = array<i64: 1, 1, 1024, 64>}, {transform_indices = @oi_fn, window_bounds = array<i64: 1, 1, 1024, 64>}]} {
    %c0 = arith.constant 0 : index
    %c0_i32 = arith.constant 0 : i32
    %0 = arith.cmpi eq, %c0_i32, %arg3 : i32
    scf.if %0 {
      %cst_3 = arith.constant dense<0.000000e+00> : vector<1x1x1024x64xf32>
      vector.store %cst_3, %arg6[%c0, %c0, %c0, %c0] : memref<1x1x1024x64xf32, #tpu.memory_space<vmem>>, vector<1x1x1024x64xf32>
      %cst_4 = arith.constant dense<0xFF800000> : vector<1x1x1024x1xf32>
      vector.store %cst_4, %arg7[%c0, %c0, %c0, %c0] : memref<1x1x1024x1xf32, #tpu.memory_space<vmem>>, vector<1x1x1024x1xf32>
      %cst_5 = arith.constant dense<0.000000e+00> : vector<1x1x1024x1xf32>
      vector.store %cst_5, %arg8[%c0, %c0, %c0, %c0] : memref<1x1x1024x1xf32, #tpu.memory_space<vmem>>, vector<1x1x1024x1xf32>
    }
    %1 = vector.load %arg4[%c0, %c0, %c0, %c0] : memref<1x1x1024x1024xf32, #tpu.memory_space<vmem>>, vector<1x1x1024x1024xf32>
    %cst = arith.constant dense<0xFF800000> : vector<1x1x1024xf32>
    %2 = vector.multi_reduction <maximumf>, %1, %cst [3] : vector<1x1x1024x1024xf32> to vector<1x1x1024xf32>
    %3 = vector.shape_cast %2 : vector<1x1x1024xf32> to vector<1x1x1024x1xf32>
    %4 = vector.load %arg7[%c0, %c0, %c0, %c0] : memref<1x1x1024x1xf32, #tpu.memory_space<vmem>>, vector<1x1x1024x1xf32>
    %5 = arith.maximumf %4, %3 : vector<1x1x1024x1xf32>
    %cst_0 = arith.constant dense<0.000000e+00> : vector<1x1x1024x1xf32>
    %6 = arith.cmpf oeq, %4, %5 : vector<1x1x1024x1xf32>
    %7 = arith.subf %4, %5 : vector<1x1x1024x1xf32>
    %8 = arith.select %6, %cst_0, %7 : vector<1x1x1024x1xi1>, vector<1x1x1024x1xf32>
    %9 = vector.broadcast %5 : vector<1x1x1024x1xf32> to vector<1x1x1024x1024xf32>
    %10 = arith.subf %1, %9 : vector<1x1x1024x1024xf32>
    %11 = math.exp %10 : vector<1x1x1024x1024xf32>
    %cst_1 = arith.constant dense<0.000000e+00> : vector<1x1x1024xf32>
    %12 = vector.multi_reduction <add>, %11, %cst_1 [3] : vector<1x1x1024x1024xf32> to vector<1x1x1024xf32>
    %13 = vector.shape_cast %12 : vector<1x1x1024xf32> to vector<1x1x1024x1xf32>
    %14 = vector.load %arg8[%c0, %c0, %c0, %c0] : memref<1x1x1024x1xf32, #tpu.memory_space<vmem>>, vector<1x1x1024x1xf32>
    %15 = math.exp %8 : vector<1x1x1024x1xf32>
    %16 = arith.mulf %15, %14 : vector<1x1x1024x1xf32>
    %17 = arith.addf %16, %13 : vector<1x1x1024x1xf32>
    %18 = vector.load %arg6[%c0, %c0, %c0, %c0] : memref<1x1x1024x64xf32, #tpu.memory_space<vmem>>, vector<1x1x1024x64xf32>
    %19 = math.exp %8 : vector<1x1x1024x1xf32>
    %20 = arith.mulf %19, %14 : vector<1x1x1024x1xf32>
    %21 = vector.broadcast %20 : vector<1x1x1024x1xf32> to vector<1x1x1024x64xf32>
    %22 = arith.mulf %21, %18 : vector<1x1x1024x64xf32>
    %23 = vector.load %arg5[%c0, %c0, %c0, %c0] : memref<1x1x1024x64xf32, #tpu.memory_space<vmem>>, vector<1x1x1024x64xf32>
    %24 = vector.shape_cast %23 : vector<1x1x1024x64xf32> to vector<1024x64xf32>
    %25 = vector.shape_cast %11 : vector<1x1x1024x1024xf32> to vector<1024x1024xf32>
    %26 = vector.shape_cast %22 : vector<1x1x1024x64xf32> to vector<1024x64xf32>
    %27 = tpu.matmul %25, %24, %26 {dimension_numbers = #tpu.dot_dimension_numbers<[1], [0], [0], [1], [0, 0, 1, 1], [], []>, precision = #tpu.contract_precision<bf16>, transpose_lhs_hint = false} : vector<1024x1024xf32>, vector<1024x64xf32>, vector<1024x64xf32> -> vector<1024x64xf32>
    %28 = vector.shape_cast %27 : vector<1024x64xf32> to vector<1x1x1024x64xf32>
    %cst_2 = arith.constant dense<1.000000e+00> : vector<1x1x1024x1xf32>
    %29 = arith.divf %cst_2, %17 : vector<1x1x1024x1xf32>
    %30 = vector.broadcast %29 : vector<1x1x1024x1xf32> to vector<1x1x1024x64xf32>
    %31 = arith.mulf %28, %30 : vector<1x1x1024x64xf32>
    %32 = vector.shape_cast %31 : vector<1x1x1024x64xf32> to vector<1x1x1024x64xf32>
    vector.store %32, %arg6[%c0, %c0, %c0, %c0] : memref<1x1x1024x64xf32, #tpu.memory_space<vmem>>, vector<1x1x1024x64xf32>
    vector.store %5, %arg7[%c0, %c0, %c0, %c0] : memref<1x1x1024x1xf32, #tpu.memory_space<vmem>>, vector<1x1x1024x1xf32>
    vector.store %17, %arg8[%c0, %c0, %c0, %c0] : memref<1x1x1024x1xf32, #tpu.memory_space<vmem>>, vector<1x1x1024x1xf32>
    return
  }
  func.func @qk_fn(%arg0: i32, %arg1: i32, %arg2: i32, %arg3: i32) -> (i32, i32, i32, i32) {
    return %arg0, %arg1, %arg2, %arg3 : i32, i32, i32, i32
  }
  func.func @v_fn(%arg0: i32, %arg1: i32, %arg2: i32, %arg3: i32) -> (i32, i32, i32, i32) {
    %c0_i32 = arith.constant 0 : i32
    return %arg0, %arg1, %arg3, %c0_i32 : i32, i32, i32, i32
  }
  func.func @oi_fn(%arg0: i32, %arg1: i32, %arg2: i32, %arg3: i32) -> (i32, i32, i32, i32) {
    %c0_i32 = arith.constant 0 : i32
    return %arg0, %arg1, %arg2, %c0_i32 : i32, i32, i32, i32
  }
}

module attributes {stable_mosaic.version = 14 : i64} {
  func.func @_vq_body(%arg0: memref<1024x512xf32, #tpu.memory_space<vmem>>, %arg1: memref<1x1024xf32, #tpu.memory_space<vmem>>, %arg2: memref<512x1xf32, #tpu.memory_space<vmem>>, %arg3: memref<512x512xf32, #tpu.memory_space<vmem>>, %arg4: memref<1x1024xf32, #tpu.memory_space<vmem>>, %arg5: memref<1024x512xf32, #tpu.memory_space<vmem>>, %arg6: memref<1x1024xi32, #tpu.memory_space<vmem>>, %arg7: memref<1x128xf32, #tpu.memory_space<vmem>>, %arg8: memref<1x512xf32, #tpu.memory_space<vmem>>) attributes {dimension_semantics = [], scalar_prefetch = 0 : i64, scratch_operands = 0 : i64, tpu.core_type = #tpu.core_type<tc>} {
    %get3A = arith.constant 0 : index
    %get3A_0 = arith.constant 0 : index
    %get3A_1 = vector.load %arg0[%get3A, %get3A_0] : memref<1024x512xf32, #tpu.memory_space<vmem>>, vector<1024x512xf32>
    %get3A_2 = arith.constant 0 : index
    %get3A_3 = arith.constant 0 : index
    %get3A_4 = vector.load %arg3[%get3A_2, %get3A_3] : memref<512x512xf32, #tpu.memory_space<vmem>>, vector<512x512xf32>
    %convert_element_type3A = arith.truncf %get3A_4 : vector<512x512xf32> to vector<512x512xbf16>
    %convert_element_type3A_5 = arith.truncf %get3A_1 : vector<1024x512xf32> to vector<1024x512xbf16>
    %dot_general3A = arith.constant dense<0.000000e+00> : vector<512x1024xf32>
    %dot_general3A_6 = tpu.matmul %convert_element_type3A, %convert_element_type3A_5, %dot_general3A {dimension_numbers = #tpu.dot_dimension_numbers<[1], [1], [0], [0], [0, 0, 1, 0], [], []>, transpose_lhs_hint = false} : vector<512x512xbf16>, vector<1024x512xbf16>, vector<512x1024xf32> -> vector<512x1024xf32>
    %get3A_7 = arith.constant 0 : index
    %get3A_8 = arith.constant 0 : index
    %get3A_9 = vector.load %arg1[%get3A_7, %get3A_8] : memref<1x1024xf32, #tpu.memory_space<vmem>>, vector<1x1024xf32>
    %mul3A = arith.constant 2.000000e+00 : f32
    %mul3A_10 = vector.broadcast %mul3A : f32 to vector<512x1024xf32>
    %mul3A_11 = arith.mulf %mul3A_10, %dot_general3A_6 : vector<512x1024xf32>
    %sub3A = vector.broadcast %get3A_9 : vector<1x1024xf32> to vector<512x1024xf32>
    %sub3A_12 = arith.subf %sub3A, %mul3A_11 : vector<512x1024xf32>
    %get3A_13 = arith.constant 0 : index
    %get3A_14 = arith.constant 0 : index
    %get3A_15 = vector.load %arg2[%get3A_13, %get3A_14] : memref<512x1xf32, #tpu.memory_space<vmem>>, vector<512x1xf32>
    %add3A = vector.broadcast %get3A_15 : vector<512x1xf32> to vector<512x1024xf32>
    %add3A_16 = arith.addf %sub3A_12, %add3A : vector<512x1024xf32>
    %reduce_min3A = arith.constant dense<0x7F800000> : vector<1024xf32>
    %reduce_min3A_17 = vector.multi_reduction <minimumf>, %add3A_16, %reduce_min3A [0] : vector<512x1024xf32> to vector<1024xf32>
    %broadcast_in_dim3A = vector.shape_cast %reduce_min3A_17 : vector<1024xf32> to vector<1x1024xf32>
    %iota3A = tpu.iota {dimensions = array<i32: 0>} : vector<512x1024xi32>
    %eq3A = vector.broadcast %broadcast_in_dim3A : vector<1x1024xf32> to vector<512x1024xf32>
    %eq3A_18 = arith.cmpf oeq, %add3A_16, %eq3A : vector<512x1024xf32>
    %jit3A = arith.constant 512 : i32
    %broadcast_in_dim3A_19 = vector.broadcast %jit3A : i32 to vector<512x1024xi32>
    %select_n3A = arith.select %eq3A_18, %iota3A, %broadcast_in_dim3A_19 : vector<512x1024xi1>, vector<512x1024xi32>
    %reduce_min3A_20 = arith.constant dense<2147483647> : vector<1024xi32>
    %reduce_min3A_21 = vector.multi_reduction <minsi>, %select_n3A, %reduce_min3A_20 [0] : vector<512x1024xi32> to vector<1024xi32>
    %broadcast_in_dim3A_22 = vector.shape_cast %reduce_min3A_21 : vector<1024xi32> to vector<1x1024xi32>
    %swap3A = arith.constant 0 : index
    %swap3A_23 = arith.constant 0 : index
    %swap3A_24 = vector.load %arg6[%swap3A, %swap3A_23] : memref<1x1024xi32, #tpu.memory_space<vmem>>, vector<1x1024xi32>
    tpu.vector_store %arg6[%swap3A, %swap3A_23], %broadcast_in_dim3A_22 {strides = array<i32>} : memref<1x1024xi32, #tpu.memory_space<vmem>>, vector<1x1024xi32>,
    %eq3A_25 = vector.broadcast %broadcast_in_dim3A_22 : vector<1x1024xi32> to vector<512x1024xi32>
    %eq3A_26 = arith.cmpi eq, %iota3A, %eq3A_25 : vector<512x1024xi32>
    %convert_element_type3A_27 = arith.extui %eq3A_26 : vector<512x1024xi1> to vector<512x1024xi32>
    %convert_element_type3A_28 = arith.sitofp %convert_element_type3A_27 : vector<512x1024xi32> to vector<512x1024xf32>
    %dot_general3A_29 = arith.constant dense<0.000000e+00> : vector<1024x512xf32>
    %dot_general3A_30 = tpu.matmul %convert_element_type3A_28, %get3A_4, %dot_general3A_29 {dimension_numbers = #tpu.dot_dimension_numbers<[0], [0], [1], [1], [0, 1, 1, 1], [], []>, precision = #tpu.contract_precision<fp32>, transpose_lhs_hint = false} : vector<512x1024xf32>, vector<512x512xf32>, vector<1024x512xf32> -> vector<1024x512xf32>
    %sub3A_31 = arith.subf %dot_general3A_30, %get3A_1 : vector<1024x512xf32>
    %add3A_32 = arith.addf %get3A_1, %sub3A_31 : vector<1024x512xf32>
    %swap3A_33 = arith.constant 0 : index
    %swap3A_34 = arith.constant 0 : index
    %swap3A_35 = vector.load %arg5[%swap3A_33, %swap3A_34] : memref<1024x512xf32, #tpu.memory_space<vmem>>, vector<1024x512xf32>
    tpu.vector_store %arg5[%swap3A_33, %swap3A_34], %add3A_32 {strides = array<i32>} : memref<1024x512xf32, #tpu.memory_space<vmem>>, vector<1024x512xf32>,
    %get3A_36 = arith.constant 0 : index
    %get3A_37 = arith.constant 0 : index
    %get3A_38 = vector.load %arg4[%get3A_36, %get3A_37] : memref<1x1024xf32, #tpu.memory_space<vmem>>, vector<1x1024xf32>
    %sub3A_39 = arith.subf %get3A_1, %dot_general3A_30 : vector<1024x512xf32>
    %integer_pow3A = arith.mulf %sub3A_39, %sub3A_39 : vector<1024x512xf32>
    %reduce_sum3A = arith.constant dense<0.000000e+00> : vector<1024xf32>
    %reduce_sum3A_40 = vector.multi_reduction <add>, %integer_pow3A, %reduce_sum3A [1] : vector<1024x512xf32> to vector<1024xf32>
    %broadcast_in_dim3A_41 = vector.shape_cast %reduce_sum3A_40 : vector<1024xf32> to vector<1024x1xf32>
    %reshape3A = vector.shape_cast %get3A_38 : vector<1x1024xf32> to vector<1024x1xf32>
    %mul3A_42 = arith.mulf %broadcast_in_dim3A_41, %reshape3A : vector<1024x1xf32>
    %reduce_sum3A_43 = vector.shape_cast %mul3A_42 : vector<1024x1xf32> to vector<1x1024x1xf32>
    %reduce_sum3A_44 = arith.constant dense<0.000000e+00> : vector<1xf32>
    %reduce_sum3A_45 = vector.multi_reduction <add>, %reduce_sum3A_43, %reduce_sum3A_44 [1, 2] : vector<1x1024x1xf32> to vector<1xf32>
    %reduce_sum3A_46 = vector.shape_cast %reduce_sum3A_45 : vector<1xf32> to vector<1x1x1xf32>
    %reduce_sum3A_47 = vector.extract %reduce_sum3A_46[0, 0, 0] : f32 from vector<1x1x1xf32>
    %iota3A_48 = tpu.iota {dimensions = array<i32: 1>} : vector<1x128xi32>
    %eq3A_49 = arith.constant 0 : i32
    %eq3A_50 = vector.broadcast %eq3A_49 : i32 to vector<1x128xi32>
    %eq3A_51 = arith.cmpi eq, %iota3A_48, %eq3A_50 : vector<1x128xi32>
    %jit3A_52 = arith.constant 0.000000e+00 : f32
    %broadcast_in_dim3A_53 = vector.broadcast %reduce_sum3A_47 : f32 to vector<1x128xf32>
    %broadcast_in_dim3A_54 = vector.broadcast %jit3A_52 : f32 to vector<1x128xf32>
    %select_n3A_55 = arith.select %eq3A_51, %broadcast_in_dim3A_53, %broadcast_in_dim3A_54 : vector<1x128xi1>, vector<1x128xf32>
    %swap3A_56 = arith.constant 0 : index
    %swap3A_57 = arith.constant 0 : index
    %swap3A_58 = vector.load %arg7[%swap3A_56, %swap3A_57] : memref<1x128xf32, #tpu.memory_space<vmem>>, vector<1x128xf32>
    tpu.vector_store %arg7[%swap3A_56, %swap3A_57], %select_n3A_55 {strides = array<i32>} : memref<1x128xf32, #tpu.memory_space<vmem>>, vector<1x128xf32>,
    %dot_general3A_59 = arith.constant dense<0.000000e+00> : vector<1x512xf32>
    %dot_general3A_60 = tpu.matmul %get3A_38, %convert_element_type3A_28, %dot_general3A_59 {dimension_numbers = #tpu.dot_dimension_numbers<[1], [1], [0], [0], [0, 0, 1, 0], [], []>, precision = #tpu.contract_precision<fp32>, transpose_lhs_hint = false} : vector<1x1024xf32>, vector<512x1024xf32>, vector<1x512xf32> -> vector<1x512xf32>
    %swap3A_61 = arith.constant 0 : index
    %swap3A_62 = arith.constant 0 : index
    %swap3A_63 = vector.load %arg8[%swap3A_61, %swap3A_62] : memref<1x512xf32, #tpu.memory_space<vmem>>, vector<1x512xf32>
    tpu.vector_store %arg8[%swap3A_61, %swap3A_62], %dot_general3A_60 {strides = array<i32>} : memref<1x512xf32, #tpu.memory_space<vmem>>, vector<1x512xf32>,
    return
  }
}

</mosaic_0001>

<sc_bundles>
// kernel: scatter_offload_async_start.1
scs
__scs_entry_jumppad:
0x0: {  	(pc) =	sbr.rel $0x88, $3  }
0x1: {  	(tag) =	ssettag $0x0;
	lr =	simm.s32 $0x1  }
0x2: {  	[smem:$0x3F88] =	sst lr;
	_ =	strace $0xD0000000  }
0x3: {  	_ = 	snop  }
0x4: {  	_ = 	snop  }
0x5: {  	_ = 	snop  }
0x6: {  	_ = 	snop  }
0x7: {  	_ = 	snop  }
__scs_overlays_trampoline_lowered:
0x8: {  	[smem:$0x3F97] =	sst s0  }
0x9: {  	[smem:$0x3F98] =	sst s1  }
0xa: {  	[smem:$0x3F99] =	sst s2  }
0xb: {  	[smem:$0x3F9A] =	sst s3  }
0xc: {  	[smem:$0x3F9B] =	sst s4  }
0xd: {  	[smem:$0x3F9C] =	sst s5  }
0xe: {  	[smem:$0x3F9D] =	sst s6  }
0xf: {  	[smem:$0x3F9E] =	sst s7  }
0x10: {  	[smem:$0x3F9F] =	sst s8  }
0x11: {  	[smem:$0x3FA0] =	sst s9;
	s0 =	simm.s32 @!p0 $0x0  }
0x12: {  	s1 =	sld [smem:$0x3F86];
	s0 =	simm.s32 @p0 $0x1  }
0x13: {  	[smem:$0x3FA1] =	sst s0;
	s0 =	simm.s32 @!p1 $0x0  }
0x14: {  	s2 =	sld [smem:$0x3F85];
	s0 =	simm.s32 @p1 $0x1  }
0x15: {  	[smem:$0x3FA2] =	sst s0;
	s0 =	simm.s32 @!p2 $0x0  }
0x16: {  	s3 =	sld [smem:$0x3FDB];
	s0 =	simm.s32 @p2 $0x1  }
0x17: {  	s4 =	simm.s32 $0x1BF5;
	[smem:$0x3FA4] =	sst s0  }
0x18: {  	s0 =	sld [smem:$0x3F87];
	_ =	swait.ge [sflag:s4], $0x0  }
0x19: {  	s7 =	sld [smem:$0x3F88]  }
0x1a: {  	s8 =	sadd.s32 $0xFFFFE003, lr  }
0x1b: {  	s9 =	sadd.s32 $0xFFFFFEF7, lr;
	s5 =	simm.s32 $0xFFFFFFFF;
	p2 =	slt.u32 s8, $0xFFFFF086  }
0x1c: {  	p1 =	slt.u32 s9, $0xF7A;
	s5 =	simm.s32 @!p2 $0x0  }
0x1d: {  	s5 =	simm.s32 @p1 $0x1;
	p0 =	seq.s32 s7, s2  }
0x1e: {  	s7 =	smul.u32 @!p0 $0xF7A, s2;
	p2 =	seq.s32 @!p0 s5, $0x0  }
0x1f: {  	s9 =	smul.u32 $0xF7A, s1;
	s8 =	simm.s32 @!p0 $0x1BF5;
	p2 =	por !p2, p0  }
0x20: {  	[sflag:s8] =	ssyncset.s32 @!p0 $0xFFFFF086;
	s6 =	sadd.s32 @!p0 s3, s7;
	s7 =	simm.s32 @!p0 $0x108  }
0x21: {  	s3 =	sadd.s32 s3, s9;
	s6 =	sadd.s32 @!p0 $0x88, s6;
	s7 =	simm.s32 @p2 $0x1082  }
0x22: {  	[simem:s7], [sflag:s8] =	dma.local @!p0 [hbm:s6], $0xF7A  }
0x23: {  	s9 =	sor.u32 $0xD0000000, s2;
	s6 =	simm.s32 $0x108;
	_ =	swait.ge @!p0 [sflag:s8], $0x0  }
0x24: {  	s3 =	sadd.s32 $0x88, s3;
	s6 =	simm.s32 @!p1 $0x1082;
	[sflag:s4] =	ssyncset.s32 $0xFFFFF086  }
0x25: {  	[simem:s6], [sflag:s4] =	dma.local [hbm:s3], $0xF7A  }
0x26: {  	[smem:$0x3F88] =	sst s1;
	(tag) =	ssettag s2;
	_ =	strace s9  }
0x27: {  	s1 =	sld [smem:$0x3F98]  }
0x28: {  	s2 =	sld [smem:$0x3F99]  }
0x29: {  	s4 =	sld [smem:$0x3F9B]  }
0x2a: {  	p0 =	seq.s32 s5, $0x0;
	s5 =	sld [smem:$0x3F9C]  }
0x2b: {  	s6 =	sld [smem:$0x3F9D]  }
0x2c: {  	s7 =	sld [smem:$0x3F9E]  }
0x2d: {  	s3 =	simm.s32 $0x108;
	s8 =	sld [smem:$0x3F9F]  }
0x2e: {  	s3 =	simm.s32 @!p0 $0x1082;
	s9 =	sld [smem:$0x3FA0]  }
0x2f: {  	lr =	sadd.s32 s0, s3;
	s0 =	sld [smem:$0x3F97]  }
0x30: {  	s3 =	sld [smem:$0x3F9A]  }
0x31: {  	[smem:$0x3FA3] =	sst s10  }
0x32: {  	s10 =	sld [smem:$0x3FA1];
	_ =	sdelay $0x3  }
0x33: {  	p0 =	seq.s32 s10, $0x1;
	s10 =	sld [smem:$0x3FA3];
	_ =	sdelay $0x3  }
0x34: {  	[smem:$0x3FA3] =	sst s10  }
0x35: {  	s10 =	sld [smem:$0x3FA2];
	_ =	sdelay $0x3  }
0x36: {  	p1 =	seq.s32 s10, $0x1;
	s10 =	sld [smem:$0x3FA3];
	_ =	sdelay $0x3  }
0x37: {  	[smem:$0x3FA3] =	sst s10  }
0x38: {  	s10 =	sld [smem:$0x3FA4]  }
0x39: {  	_ = 	snop;
	(pc) =	sbr.ind lr, $3  }
0x3a: {  	_ = 	snop  }
0x3b: {  	_ = 	snop  }
0x3c: {  	p2 =	seq.s32 s10, $0x1;
	s10 =	sld [smem:$0x3FA3]  }
0x3d: {  	_ =	shalt  }
0x3e: {  	_ =	shalt  }
0x3f: {  	_ =	shalt  }
0x40: {  	_ =	shalt  }
0x41: {  	_ =	shalt  }
0x42: {  	_ =	shalt  }
0x43: {  	_ =	shalt  }
0x44: {  	_ =	shalt  }
0x45: {  	_ =	shalt  }
0x46: {  	_ =	shalt  }
0x47: {  	_ =	shalt  }
0x48: {  	_ =	shalt  }
0x49: {  	_ =	shalt  }
0x4a: {  	_ =	shalt  }
0x4b: {  	_ =	shalt  }
0x4c: {  	_ =	shalt  }
0x4d: {  	_ =	shalt  }
0x4e: {  	_ =	shalt  }
0x4f: {  	_ =	shalt  }
0x50: {  	_ =	shalt  }
0x51: {  	_ =	shalt  }
0x52: {  	_ =	shalt  }
0x53: {  	_ =	shalt  }
0x54: {  	_ =	shalt  }
0x55: {  	_ =	shalt  }
0x56: {  	_ =	shalt  }
0x57: {  	_ =	shalt  }
0x58: {  	_ =	shalt  }
0x59: {  	_ =	shalt  }
0x5a: {  	_ =	shalt  }
0x5b: {  	_ =	shalt  }
0x5c: {  	_ =	shalt  }
0x5d: {  	_ =	shalt  }
0x5e: {  	_ =	shalt  }
0x5f: {  	_ =	shalt  }
0x60: {  	_ =	shalt  }
0x61: {  	_ =	shalt  }
0x62: {  	_ =	shalt  }
0x63: {  	_ =	shalt  }
0x64: {  	_ =	shalt  }
0x65: {  	_ =	shalt  }
0x66: {  	_ =	shalt  }
0x67: {  	_ =	shalt  }
0x68: {  	_ =	shalt  }
0x69: {  	_ =	shalt  }
0x6a: {  	_ =	shalt  }
0x6b: {  	_ =	shalt  }
0x6c: {  	_ =	shalt  }
0x6d: {  	_ =	shalt  }
0x6e: {  	_ =	shalt  }
0x6f: {  	_ =	shalt  }
0x70: {  	_ =	shalt  }
0x71: {  	_ =	shalt  }
0x72: {  	_ =	shalt  }
0x73: {  	_ =	shalt  }
0x74: {  	_ =	shalt  }
0x75: {  	_ =	shalt  }
0x76: {  	_ =	shalt  }
0x77: {  	_ =	shalt  }
0x78: {  	_ =	shalt  }
0x79: {  	_ =	shalt  }
0x7a: {  	_ =	shalt  }
0x7b: {  	_ =	shalt  }
0x7c: {  	_ =	shalt  }
0x7d: {  	_ =	shalt  }
0x7e: {  	_ =	shalt  }
0x7f: {  	_ =	shalt  }
0x80: {  	_ =	shalt  }
0x81: {  	_ =	shalt  }
0x82: {  	_ =	shalt  }
0x83: {  	_ =	shalt  }
0x84: {  	_ =	shalt  }
0x85: {  	_ =	shalt  }
0x86: {  	_ =	shalt  }
0x87: {  	_ =	shalt  }
.Lfunc_end0:
.L_simem_size_0:
called_computation.1_lowered:
.L_overlay_start_0:
0x88: {  	s0 =	sld [smem:$0x3FD9]  }
0x89: {  	s1 =	sld [smem:$0x3FFE];
	_ =	sdelay $0x3  }
0x8a: {  	s0 =	sadd.s32 s1, s0  }
0x8b: {  	[smem:$0x3FAF] =	sst s0  }
0x8c: {  	_ = 	snop  }
0x8d: {  	s0 =	sld [smem:$0x3FD0];
	_ =	sdelay $0x2  }
0x8e: {  	s13 =	simm.s32 $0xB;
	s2 =	simm.s32 $0x10  }
0x8f: {  	[smem:s2], [sflag:s13] =	dma.local [hbm:s0], $0x1  }
0x90: {  	_ =	swait.eq [sflag:s13], $0x1  }
0x91: {  	[sflag:s13] =	ssyncset.done $0x0  }
0x92: {  	[sflag:s13] =	ssyncadd.s32 $0xFFFFFFFF  }
0x93: {  	s14 =	sld [smem:$0x11];
	(tm) =	ssettm $0x1  }
0x94: {  	s15 =	sld [smem:$0x3FFB];
	_ =	sdelay $0x3  }
0x95: {  	_ =	strace s15  }
0x96: {  	s1 =	sld [smem:$0x3FFC];
	_ =	sdelay $0x3  }
0x97: {  	_ =	strace s1  }
0x98: {  	s1 =	sld [smem:$0x3FFD];
	_ =	sdelay $0x3  }
0x99: {  	_ =	strace s1  }
0x9a: {  	_ =	strace $0x8FFFFFFF  }
0x9b: {  	s16 =	sld [smem:$0x3FDB];
	_ =	sdelay $0x1  }
0x9c: {  	s17 =	simm.s32 $_scs_section_size  }
0x9d: {  	s3 =	simm.s32 $_size__tile_overlayer_lowered;
	s4 =	simm.s32 $_tile_overlayer_lowered  }
0x9e: {  	s20 =	simm.s32 $0x1BFF;
	s19 =	sshll.u32 s4, $0x1;
	s1 =	sadd.s32 s17, s16  }
0x9f: {  	s5 =	simm.s32 $0x0;
	s18 =	sshll.u32 s3, $0x1;
	s3 =	sadd.s32 s19, s1  }
0xa0: {  	[timem:s5], [sflag:s20] =	dma.local [hbm:s3], s18  }
0xa1: {  	_ =	swait.ge [sflag:s20], s18  }
0xa2: {  	s2 =	ssub.s32 $0x0, s18;
	[sflag:s20] =	ssyncset.done $0x0  }
0xa3: {  	[sflag:s20] =	ssyncadd.s32 s2;
	_ =	sdelay $0x1  }
0xa4: {  	s21 =	simm.s32 $0x1B8B  }
0xa5: {  	_ =	swait.ge [sflag:s21], $0x1  }
0xa6: {  	[sflag:s21] =	ssyncset.done $0x0  }
0xa7: {  	s23 =	simm.s32 $0x1B8E;
	s22 =	sld [smem:$0x3FFE];
	[sflag:s21] =	ssyncadd.s32 $0xFFFFFFFF  }
0xa8: {  	s24 =	simm.s32 $execute0_lowered;
	[smem:$0x3FD2] =	sst s23  }
0xa9: {  	s3 =	sshll.u32 s24, $0x1;
	_ =	strace $0x80000049;
	[dreg:$0x1] =	wrdreg $0xFFFFFFFF  }
0xaa: {  	s25 =	simm.s32 $_size_execute0_lowered;
	s1 =	sadd.s32 s1, s3;
	[dreg:$0x0] =	wrdreg $0x0  }
0xab: {  	s3 =	sshll.u32 s25, $0x1;
	[dreg:$0x2] =	wrdreg s1  }
0xac: {  	[dreg:$0x3] =	wrdreg s3  }
0xad: {  	[dreg:$0x4] =	wrdreg $0xC0  }
0xae: {  	_ =	task [dreg:s5], $0x5FFFF  }
0xaf: {  	[dreg:$0x1] =	wrdreg $0xFFFFFFFF  }
0xb0: {  	[dreg:$0x0] =	wrdreg $0x60  }
0xb1: {  	[dreg:$0x2] =	wrdreg s14  }
0xb2: {  	[dreg:$0x3] =	wrdreg s22  }
0xb3: {  	[dreg:$0x4] =	wrdreg $0x9  }
0xb4: {  	_ =	task.clear_ibuf [dreg:s5], $0x5FFFF;
	_ =	strace $0x90000049  }
0xb5: {  	s26 =	simm.s32 $0x9;
	_ =	strace $0x8000004B  }
0xb6: {  	_ =	swait.ge [sflag:s26], $0x1  }
0xb7: {  	[sflag:s26] =	ssyncadd.s32 $0xFFFFFFFF  }
0xb8: {  	_ =	strace $0x9000004B  }
0xb9: {  	_ =	sfence  }
0xba: {  	s28 =	sld [smem:$0x0];
	_ =	sdelay $0x1  }
0xbb: {  	s29 =	srdreg.scid  }
0xbc: {  	s30 =	sshll.u32 s29, $0xD;
	s31 =	sshrl.u32 s29, $0x2  }
0xbd: {  	s2 =	sand.u32 $0x4000, s30;
	s1 =	sand.u32 $0x1, s29;
	s0 =	sadd.s32 s31, s28  }
0xbe: {  	s1 =	sor.u32 s2, s1;
	s0 =	sshll.u32 s0, $0x11  }
0xbf: {  	s0 =	sor.u32 s0, s1  }
0xc0: {  	s0 =	sadd.s32 $0x8F2B, s0  }
0xc1: {  	[sflag:s0] =	ssyncadd.remote.s32 $0x1  }
0xc2: {  	_ =	sfence.sel $0xFFFF  }
0xc3: {  	[dreg:$0x0] =	wrdreg $0xFFFFFFFF;
	(pc) =	sbr.abs _section_cstart, $3  }
0xc4: {  	[dreg:$0x1] =	wrdreg $0xFFFFFFFF  }
0xc5: {  	_ =	task.clear_ibuf [dreg:s5], $0x2FFFF;
	_ =	strace $0x9FFFFFFF  }
0xc6: {  	(tm) =	ssettm $0x7FFFFFFF  }
0xc7: {  	_ =	shalt  }
tec
execute0_lowered:
.L_overlay_start_1:
0x0: {  	(tag) =	ssettag $0x1  }
0x1: {  	s1 =	rddreg [dreg:$0x0]  }
0x2: {  	s0 =	rddreg [dreg:$0x1];
	_ =	strace $0x8000004A;
	s3 =	simm.s32 $0x1  }
0x3: {  	v1 =	vimm.s32 $0xFFFFFFFF;
	[sflag:s3] =	ssyncpa.u1 $0x0  }
0x4: {  	[tilespmem:$0x10] =	vst v1  }
0x5: {  	v0 =	vimm.f32 $0.0e+00;
	[tilespmem:$0x20] =	vst v1  }
0x6: {  	[tilespmem:$0x30] =	vst v0  }
0x7: {  	s2 =	simm.s32 $0x2;
	s6 =	simm.s32 $0x7;
	[tilespmem:$0x40] =	vst v0  }
0x8: {  	s26 =	stileid.u32;
	s7 =	simm.s32 $0x8;
	s31 =	simm.s32 $0x9;
	[tilespmem:$0x50] =	vst v0  }
0x9: {  	s14 =	simm.s32 $0x0;
	s15 =	simm.s32 $0x100;
	s18 =	simm.s32 $0x10;
	[tilespmem:$0x60] =	vst v1  }
0xa: {  	s19 =	simm.s32 $0xA00;
	s20 =	simm.s32 $0xF;
	s21 =	simm.s32 $0x50;
	[tilespmem:$0x70] =	vst v1  }
0xb: {  	s22 =	simm.s32 $0x4FF;
	s23 =	simm.s32 $0x20;
	s24 =	simm.s32 $0x30;
	[tilespmem:$0x80] =	vst v1  }
0xc: {  	s25 =	simm.s32 $0x8FF;
	s30 =	simm.s32 $0x0;
	s29 =	simm.s32 $0x0;
	v1 =	vimm.s32 $0x0;
	[tilespmem:$0xB0] =	vst v0  }
.Ltmp0:
0xd: {  	s4 =	sadd.s32 $0x1E00, s0;
	s5 =	sadd.s32 $0x2000, s0;
	[tilespmem:$0x90] =	vst v1;
	(pc) =	sbr.rel .LBB2_1-.Ltmp0, $4  }
0xe: {  	s8 =	sshll.u32 s26, $0x8;
	s10 =	sshll.u32 s26, $0x1;
	[tilespmem:$0xA0] =	vst v1;
	[sflag:s2] =	ssyncpa.u1 $0x0  }
0xf: {  	s12 =	sshllo.u32 s26, $0x1;
	s26 =	simm.s32 $0x80;
	[sflag:s6] =	ssyncpa.u1 $0x0  }
0x10: {  	vm0 =	vmmov $0xffff;
	v2 =	vlaneseq.u32;
	s9 =	sadd.s32 $0x100, s8;
	s11 =	sor.u32 $0x81, s10;
	[sflag:s7] =	ssyncpa.u1 $0x0  }
0x11: {  	vm1 =	vmxor vm1, vm1;
	vm2 =	vmmov $0x1;
	vm3 =	vcmask $0x3F3C;
	s13 =	sor.u32 $0x80, s10;
	s28 =	smov.u32 s8;
	[sflag:s31] =	ssyncpa.u1 $0x0  }
.LBB2_3:
0x12: {  	s0 =	sshrl.u32 s28, $0x3  }
0x13: {  	s2 =	sand.u32 $0x7, s28;
	s0 =	sadd.s32 s4, s0  }
0x14: {  	[tilespmem:s15], [sflag:$0x7] =	stream.linear.gather [hbm4b:s0+s2], $0x100, $0x38;
	[tilespmem:$0xA20] =	vst v63  }
.LBB2_4:
0x15: {  	s0 =	sadd.s32 $0x100, s28  }
0x16: {  	s2 =	smov.u32 s8;
	s29 =	sadd.s32 $0x1, s29;
	p0 =	slt.s32 s0, s9  }
0x17: {  	s2 =	smov.u32 @p0 s0;
	p0 =	sne.s32 s29, $0x4  }
.Ltmp1:
0x18: {  	_ = 	snop;
	(pc) =	sbr.rel @!p0 .LBB2_13-.Ltmp1, $2  }
0x19: {  	_ =	sdelay $0x2  }
0x1a: {  	s30 =	smov.u32 s28;
	s28 =	smov.u32 s2  }
.LBB2_1:
0x1b: {  	p0 =	sgt.s32 s29, $0x1  }
.Ltmp2:
0x1c: {  	_ = 	snop;
	(pc) =	sbr.rel @p0 .LBB2_11-.Ltmp2, $1  }
0x1d: {  	_ =	sdelay $0x3  }
0x1e: {  	p0 =	seq.s32 s29, $0x0  }
.Ltmp3:
0x1f: {  	_ = 	snop;
	(pc) =	sbr.rel @p0 .LBB2_3-.Ltmp3, $1  }
0x20: {  	_ =	sdelay $0x3  }
0x21: {  	_ =	swait.ge [sflag:s6], $0x100  }
0x22: {  	[sflag:s6] =	ssyncset.done $0x0  }
0x23: {  	[sflag:s6] =	ssyncadd.s32 $0xFFFFFF00;
	(ifvalue) =	ssetifvalue $0xFFFFFFFF;
	v3 =	vld.msk [tilespmem:s15+$0x0 ss:$0x1], $0xffff;
	_ =	sdelay $0x4  }
0x24: {  	v4 =	vperm.xlane v3, v1  }
0x25: {  	vm4 =	vlt.u32 v3, $0x400  }
0x26: {  	v3 =	vnsel vm4, $0xFFFFFFFE, v3;
	vm4 =	vlt.u32 v4, $0x400  }
0x27: {  	[tilespmem:$0x70] =	vst v3;
	v3 =	vnsel vm4, $0xFFFFFFFE, v4  }
0x28: {  	s17 =	simm.s32 $0x1F0;
	[tilespmem:$0x80] =	vst v3  }
0x29: {  	v3 =	vld.msk [tilespmem:s17+$0x0 ss:$0x1], $0xffff;
	_ =	sdelay $0x4  }
0x2a: {  	(xrf1) =	vunique.msk.u32 $0xffff, v3;
	_ =	sdelay $0xd  }
0x2b: {  	v4 =	vimm.s32 $0xFFFFFFFF;
	v5, _, _ =	vpop (xrf1)  }
0x2c: {  	vm5 =	vne.s32 v3, v4;
	vm4 =	veq.s32 v5, v2  }
0x2d: {  	vm6 =	vlt.u32 v3, $0x400;
	vm4 =	vmand vm5, vm4  }
0x2e: {  	vm4 =	vmand vm6, vm4  }
0x2f: {  	v4 =	vnsel vm4, $0xFFFFFFFF, v3;
	_ =	sdelay $0x3  }
0x30: {  	s0 =	simm.s32 $0x4F0;
	(ifvalue) =	ssetifvalue $0xFFFFFFFF  }
0x31: {  	v3 =	vperm.xlane v3, v1;
	[tilespmem:s0], [sflag:$0x8] =	stream.indirect_vreg.gather [hbm4b:s1+s14], $0x1, v4, vm0, $0x4038;
	v4 =	vnsel vm6, $0xFFFFFFFE, v4;
	[tilespmem:$0xA20] =	vst v63  }
0x32: {  	s2 =	simm.s32 $0x0;
	s16 =	simm.s32 $0x1E0;
	[tilespmem:s17+$0x0] =	vst v4  }
.LBB2_6:
0x33: {  	v4 =	vld.msk [tilespmem:s16+$0x0 ss:$0x1], $0xffff;
	s2 =	sadd.s32 $0x10, s2;
	v5 =	vmov v3;
	s17 =	smov.u32 s16  }
0x34: {  	p0 =	slt.u32 s2, $0xF0;
	_ =	sdelay $0x4  }
0x35: {  	v3 =	vperm.xlane v4, v1;
	(xrf1) =	vunique.msk.u32 $0xffff, v4;
	_ =	sdelay $0xd  }
0x36: {  	v6, _, _ =	vpop (xrf1)  }
0x37: {  	vm5 =	vne.s32 v4, v5;
	vm4 =	veq.s32 v6, v2  }
0x38: {  	vm6 =	vlt.u32 v4, $0x400;
	vm4 =	vmand vm5, vm4  }
0x39: {  	vm4 =	vmand vm6, vm4  }
0x3a: {  	v4 =	vnsel vm4, $0xFFFFFFFF, v4  }
.Ltmp4:
0x3b: {  	v5 =	vnsel vm6, $0xFFFFFFFE, v4;
	(pc) =	sbr.rel @p0 .LBB2_6-.Ltmp4, $3  }
0x3c: {  	_ =	sdelay $0x1  }
0x3d: {  	s16 =	sadd.s32 $0xFFFFFFF0, s16;
	s0 =	sadd.s32 $0xFFFFFFF0, s0;
	(ifvalue) =	ssetifvalue $0xFFFFFFFF  }
0x3e: {  	[tilespmem:s0], [sflag:$0x8] =	stream.indirect_vreg.gather [hbm4b:s1+s14], $0x1, v4, vm0, $0x4038;
	[tilespmem:s17+$0x0] =	vst v5  }
.Ltmp5:
0x3f: {  	(pc) =	sbr.rel .LBB2_4-.Ltmp5, $4  }
0x40: {  	_ = 	snop  }
0x41: {  	s0 =	sshrl.u32 s30, $0x3  }
0x42: {  	s2 =	simm.s32 $0x600;
	s0 =	sadd.s32 s5, s0  }
0x43: {  	[tilespmem:s2], [sflag:$0x8] =	stream.linear.gather [hbm:s0], $0x100, $0x38;
	[tilespmem:$0xA20] =	vst v63  }
.LBB2_11:
0x44: {  	p0 =	seq.s32 s29, $0x2  }
.Ltmp6:
0x45: {  	_ = 	snop;
	(pc) =	sbr.rel @!p0 .LBB2_12-.Ltmp6, $1  }
0x46: {  	_ =	sdelay $0x3  }
0x47: {  	_ =	swait.ge [sflag:s7], $0x200  }
0x48: {  	[sflag:s7] =	ssyncset.done $0x0  }
0x49: {  	s0 =	simm.s32 $0x1FF;
	[sflag:s7] =	ssyncadd.s32 $0xFFFFFE00  }
0x4a: {  	[spmem:s11] =	stream.linear.scatter [tilespmem:s0], [sflag:$0x1], $0x1, $0x38;
	[tilespmem:$0xA20] =	vst v63  }
0x4b: {  	_ =	swait.ge [sflag:s3], $0x1  }
0x4c: {  	[sflag:s3] =	ssyncset.done $0x0  }
0x4d: {  	[sflag:s3] =	ssyncadd.s32 $0xFFFFFFFF  }
0x4e: {  	v4 =	vld [tilespmem:$0x10]  }
0x4f: {  	v5 =	vld [tilespmem:$0x70]  }
0x50: {  	v3 =	vld [tilespmem:$0x80];
	_ =	sdelay $0x2  }
0x51: {  	(v2sf) =	vpush v4, $0x0  }
0x52: {  	(v2sf) =	vpush v5, $0x0  }
0x53: {  	(v2sf) =	vpush v3, $0x0;
	_ =	sdelay $0xc  }
0x54: {  	s16 =	spop (v2sf)  }
0x55: {  	s2 =	spop (v2sf)  }
0x56: {  	s30 =	spop (v2sf)  }
0x57: {  	p0 =	seq.s32 s16, s2;
	p1 =	seq.s32 s30, s16  }
0x58: {  	p1 =	por p0, p1  }
0x59: {  	v4 =	vpsel p1, $0xFFFFFFFF, v4  }
0x5a: {  	[tilespmem:s18+$0x0] =	vst.msk $0x1, v4  }
0x5b: {  	v4 =	vld [tilespmem:$0x30]  }
0x5c: {  	v5 =	vld [tilespmem:$0x600]  }
0x5d: {  	v6 =	vld [tilespmem:$0x40];
	_ =	sdelay $0x3  }
0x5e: {  	vm4 =	vmmov vm1;
	v5 =	vadd.f32 v5, v4  }
0x5f: {  	vm5 =	vmmov vm2;
	s31 =	simm.s32 $0x600;
	vm4 =	vmmov @p0 vm2;
	v4 =	vadd.f32 v6, v4  }
0x60: {  	vm5 =	vmmov @p1 vm1;
	[tilespmem:s31+$0x0] =	vst.msk vm4, v5  }
0x61: {  	[tilespmem:s19+$0x0] =	vst.msk vm5, v4  }
0x62: {  	v4 =	vld [tilespmem:$0x4F0];
	_ =	sdelay $0x3  }
0x63: {  	v5 =	vimm.f32 $0.0e+00  }
0x64: {  	v4 =	vshift.insert v4, v5, s20;
	_ =	sdelay $0x1  }
0x65: {  	[tilespmem:s21+$0x0] =	vst.msk $0x1, v4  }
0x66: {  	[tilespmem:s22+$0x0] =	vst.msk $0x1, v5  }
0x67: {  	v4 =	vld [tilespmem:$0x1F0];
	_ =	sdelay $0x4  }
0x68: {  	v4 =	vshift.insert v4, v1, s20;
	_ =	sdelay $0x1  }
0x69: {  	[tilespmem:s23+$0x0] =	vst.msk $0x1, v4  }
0x6a: {  	s17 =	simm.s32 $0x100;
	v6 =	vld [tilespmem:s31+$0x0]  }
0x6b: {  	v7 =	vld [tilespmem:s17+$0x0];
	_ =	sdelay $0x3  }
0x6c: {  	v5 =	vadd.f32 v6, v5  }
0x6d: {  	vm4 =	vne.s32 v7, $0xFFFFFFFF  }
0x6e: {  	(xrf2) =	vadd.seg.scan.f32 vm4, v5;
	_ =	sdelay $0x3  }
0x6f: {  	s0 =	simm.s32 $0x400;
	v5 =	vperm.xlane v4, v1  }
0x70: {  	v6 =	vld [tilespmem:s0+$0x0]  }
0x71: {  	vm5 =	veq.s32 v7, v3;
	vm6 =	veq.s32 v7, v5  }
0x72: {  	vm7 =	vgt.u32 v7, $0xFFFFFFFD;
	vm6 =	vmor vm6, vm5  }
0x73: {  	vm6 =	vmor vm6, vm7  }
0x74: {  	v9 =	vld [tilespmem:$0xA0];
	v7 =	vsel vm6, $0xFFFFFFFF, v7  }
0x75: {  	v10 =	vld [tilespmem:$0x90];
	v6 =	vsel vm5, $0x0, v6;
	v8, _, _ =	vpop (xrf2)  }
0x76: {  	v6 =	vadd.f32 v8, v6  }
0x77: {  	s2 =	simm.s32 $0x800  }
0x78: {  	vm4 =	vmand vm4, vm3;
	[tilespmem:s2+$0x0] =	vst v6;
	(ifvalue) =	ssetifvalue $0xFFFFFFFF  }
0x79: {  	vm6 =	veq.s32 v9, $0x1;
	[hbm4b:s1+s14] =	stream.indirect_vreg.scatter [tilespmem:s2], [sflag:$0x2], $0x1, v7, vm0, $0x4038;
	v7 =	vsel vm4, $0x0, v8;
	[tilespmem:$0xA20] =	vst v63  }
0x7a: {  	s16 =	simm.s32 $0x0;
	s17 =	simm.s32 $0x110;
	vm4 =	vmor vm6, vm5;
	v6 =	vsel vm5, v8, v10;
	v7 =	vshift.insert v7, v0, s20  }
.LBB2_9:
0x7b: {  	v8 =	vld [tilespmem:s17+$0x0];
	s31 =	sadd.s32 $0x10, s31  }
0x7c: {  	s0 =	sadd.s32 $0x10, s0;
	v9 =	vld [tilespmem:s31+$0x0]  }
0x7d: {  	s16 =	sadd.s32 $0x10, s16;
	v10 =	vld [tilespmem:s0+$0x0]  }
0x7e: {  	p0 =	slt.u32 s16, $0xF0;
	_ =	sdelay $0x2  }
0x7f: {  	v7 =	vadd.f32 v9, v7  }
0x80: {  	vm5 =	vne.s32 v8, $0xFFFFFFFF  }
0x81: {  	vm6 =	vmand vm5, vm3;
	(xrf2) =	vadd.seg.scan.f32 vm5, v7;
	_ =	sdelay $0x5  }
0x82: {  	vm7 =	veq.s32 v8, v5;
	vm5 =	veq.s32 v8, v3  }
0x83: {  	vm8 =	vgt.u32 v8, $0xFFFFFFFD;
	vm4 =	vmor vm4, vm5;
	vm7 =	vmor vm7, vm5  }
0x84: {  	vm7 =	vmor vm7, vm8  }
0x85: {  	v8 =	vsel vm7, $0xFFFFFFFF, v8  }
.Ltmp7:
0x86: {  	v7 =	vsel vm5, $0x0, v10;
	v9, _, _ =	vpop (xrf2);
	(pc) =	sbr.rel @p0 .LBB2_9-.Ltmp7, $4  }
0x87: {  	v6 =	vsel vm5, v9, v6;
	v10 =	vadd.f32 v9, v7;
	v7 =	vsel vm6, $0x0, v9  }
0x88: {  	s2 =	sadd.s32 $0x10, s2;
	v7 =	vshift.insert v7, v0, s20  }
0x89: {  	s17 =	sadd.s32 $0x10, s17;
	[tilespmem:s2+$0x0] =	vst v10;
	(ifvalue) =	ssetifvalue $0xFFFFFFFF  }
0x8a: {  	[hbm4b:s1+s14] =	stream.indirect_vreg.scatter [tilespmem:s2], [sflag:$0x2], $0x1, v8, vm0, $0x4038;
	[tilespmem:$0xA20] =	vst v63  }
0x8b: {  	v3 =	vld [tilespmem:$0x8F0];
	_ =	sdelay $0x4  }
0x8c: {  	v3 =	vshift.insert v3, v0, s20;
	_ =	sdelay $0x1  }
0x8d: {  	[tilespmem:s24+$0x0] =	vst.msk $0x1, v3  }
0x8e: {  	v3 =	vsel vm4, $0x1, v1;
	[tilespmem:$0x90] =	vst v6  }
0x8f: {  	[tilespmem:$0xA0] =	vst v3  }
0x90: {  	[spmem:s12] =	stream.linear.scatter [tilespmem:s25], [sflag:$0x1], $0x1, $0x38;
	[tilespmem:$0xA20] =	vst v63  }
0x91: {  	v3 =	vmctz.xlane vm4;
	_ =	swait.ge [sflag:s3], $0x1  }
0x92: {  	(v2sf) =	vpush v4, $0x0  }
0x93: {  	(v2sf) =	vpush v3, $0x0;
	_ =	sdelay $0xd  }
0x94: {  	s0 =	spop (v2sf)  }
0x95: {  	s2 =	spop (v2sf)  }
0x96: {  	[sflag:s3] =	ssyncset.done $0x0;
	p0 =	sne.s32 s30, s0;
	p1 =	slt.s32 s2, $0xF  }
0x97: {  	[sflag:s3] =	ssyncadd.s32 $0xFFFFFFFF;
	v3 =	vimm.s32 @!p0 $0xFFFFFFFF;
	s2 =	simm.s32 @!p1 $0xF  }
0x98: {  	[tilespmem:$0x80] =	vst @!p0 v3;
	s31 =	sadd.s32 $0x90, s2  }
0x99: {  	[spmem:s10] =	stream.linear.scatter [tilespmem:s31], [sflag:$0x1], $0x1, $0x38;
	[tilespmem:$0xA20] =	vst v63  }
0x9a: {  	_ =	swait.ge [sflag:s3], $0x1  }
0x9b: {  	[sflag:s3] =	ssyncset.done $0x0  }
0x9c: {  	[sflag:s3] =	ssyncadd.s32 $0xFFFFFFFF  }
0x9d: {  	[spmem:s13] =	stream.linear.scatter [tilespmem:s26], [sflag:$0x1], $0x1, $0x38;
	[tilespmem:$0xA20] =	vst v63  }
0x9e: {  	_ =	swait.ge [sflag:s3], $0x1  }
0x9f: {  	[sflag:s3] =	ssyncset.done $0x0  }
0xa0: {  	[sflag:s3] =	ssyncadd.s32 $0xFFFFFFFF;
	(ifvalue) =	ssetifvalue $0xFFFFFFFF;
	v3 =	vld [tilespmem:$0x10];
	_ =	sdelay $0x3  }
.Ltmp8:
0xa1: {  	_ = 	snop;
	(pc) =	sbr.rel .LBB2_4-.Ltmp8, $3  }
0xa2: {  	_ =	sdelay $0x1  }
0xa3: {  	(ifvalue) =	ssetifvalue $0xFFFFFFFF  }
0xa4: {  	[hbm4b:s1+s14] =	stream.indirect_vreg.scatter [tilespmem:s19], [sflag:$0x9], $0x1, v3, vm0, $0x4038;
	[tilespmem:$0xA20] =	vst v63  }
.LBB2_12:
0xa5: {  	s0 =	simm.s32 $0x2  }
0xa6: {  	_ =	swait.ge [sflag:s0], $0x100  }
0xa7: {  	[sflag:s0] =	ssyncset.done $0x0  }
0xa8: {  	s31 =	simm.s32 $0x9;
	[sflag:s0] =	ssyncadd.s32 $0xFFFFFF00  }
0xa9: {  	_ =	swait.ge [sflag:s31], $0x10  }
0xaa: {  	[sflag:s31] =	ssyncset.done $0x0  }
0xab: {  	[sflag:s31] =	ssyncadd.s32 $0xFFFFFFF0  }
.LBB2_13:
0xac: {  	_ =	sfence.sel $0x180000  }
0xad: {  	s0 =	simm.s32 $0x7;
	[bflag:$0x0] =	sbarrier.arrive $0xFFFF  }
0xae: {  	s26 =	simm.s32 $0x8;
	[sflag:s0] =	ssyncpa.u1 $0x1  }
0xaf: {  	s28 =	simm.s32 $0x9;
	[sflag:s26] =	ssyncpa.u1 $0x1  }
0xb0: {  	[sflag:s28] =	ssyncpa.u1 $0x1  }
0xb1: {  	_ =	sfence.stream.spmem  }
0xb2: {  	s29 =	simm.s32 $0x3;
	[bflag:$0x0] =	sbarrier.arrive $0xFFFF  }
0xb3: {  	s30 =	simm.s32 $0x4;
	[sflag:s29] =	ssyncpa.u1 $0x1  }
0xb4: {  	s31 =	simm.s32 $0x3C;
	s2 =	stileid.u32;
	[sflag:s30] =	ssyncpa.u1 $0x1  }
0xb5: {  	p0 =	sne.s32 s2, $0x0;
	[sflag:s31] =	ssyncpa.u1 $0x1  }
0xb6: {  	s0 =	simm.s32 @p0 $0x1;
	_ =	sfence @p0  }
0xb7: {  	[sflag:s0] =	ssyncpa.u1 @p0 $0x1;
	s0 =	simm.s32 @p0 $0x2  }
0xb8: {  	[sflag:s0] =	ssyncpa.u1 @p0 $0x1  }
0xb9: {  	_ =	strace @p0 $0x9000004A  }
0xba: {  	[bflag:$0x2] =	sbarrier.arrive @p0 $0xFFFF  }
0xbb: {  	_ =	shalt @p0  }
.LBB2_14:
0xbc: {  	_ =	sfence.stream.spmem;
	s0 =	simm.s32 $0x5  }
0xbd: {  	s2 =	simm.s32 $0x80;
	s3 =	simm.s32 $0xC0;
	[sflag:s0] =	ssyncpa.u1 $0x0  }
0xbe: {  	[tilespmem:s3], [sflag:$0x5] =	stream.linear.gather [spmem:s2], $0x20, $0x38;
	[tilespmem:$0xA20] =	vst v63  }
0xbf: {  	s2 =	simm.s32 $0x0;
	s3 =	simm.s32 $0xE0  }
0xc0: {  	[tilespmem:s3], [sflag:$0x5] =	stream.linear.gather [spmem:s2], $0x20, $0x38;
	[tilespmem:$0xA20] =	vst v63  }
.Ltmp9:
0xc1: {  	_ = 	snop;
	(pc) =	sbr.rel .LBB2_15-.Ltmp9, $4  }
0xc2: {  	_ =	swait.ge [sflag:s0], $0x40  }
0xc3: {  	[sflag:s0] =	ssyncset.done $0x0  }
0xc4: {  	s31 =	simm.s32 $0x6;
	[sflag:s0] =	ssyncadd.s32 $0xFFFFFFC0  }
0xc5: {  	s4 =	simm.s32 $0x0;
	[sflag:s31] =	ssyncpa.u1 $0x0  }
.LBB2_20:
0xc6: {  	p0 =	sgt.u32 s0, $0x3FF  }
0xc7: {  	s5 =	sshrl.u32 @!p0 s0, $0x3  }
0xc8: {  	s0 =	sand.u32 @!p0 $0x7, s0;
	s6 =	simm.s32 @!p0 $0xB0;
	s5 =	sadd.s32 @!p0 s1, s5  }
0xc9: {  	[tilespmem:s6], [sflag:$0x6] =	stream.linear.gather @!p0 [hbm4b:s5+s0], $0x1, $0x38;
	[tilespmem:$0xA20] =	vst v63  }
0xca: {  	s0 =	simm.s32 @!p0 $0x6  }
0xcb: {  	_ =	swait.ge @!p0 [sflag:s0], $0x1  }
0xcc: {  	[sflag:s0] =	ssyncset.done @!p0 $0x0  }
0xcd: {  	[sflag:s0] =	ssyncadd.s32 @!p0 $0xFFFFFFFF  }
0xce: {  	v2 =	vmov @!p0 s4;
	v1 =	vld.msk @!p0 [tilespmem:$0xB0], $0x1;
	_ =	sdelay $0x3  }
0xcf: {  	s0 =	simm.s32 @!p0 $0xE0  }
0xd0: {  	[tilespmem:v2+s0+$0x0], v1 =	vst.idx.ret.add.f32.msk @!p0 $0x1, v1  }
0xd1: {  	[tilespmem:s2+$0xC0] =	vst.msk $0x1, v0  }
0xd2: {  	v0 =	vld.msk [tilespmem:s4+$0xE0], $0x1;
	_ =	sdelay $0x4  }
0xd3: {  	[tilespmem:s2+$0xE0] =	vst.msk $0x1, v0;
	s2 =	sadd.s32 $0x1, s2  }
.LBB2_22:
0xd4: {  	s4 =	sadd.s32 $0x1, s4  }
0xd5: {  	p0 =	sne.s32 s4, $0x20  }
.Ltmp10:
0xd6: {  	_ = 	snop;
	(pc) =	sbr.rel @!p0 .LBB2_23-.Ltmp10, $1  }
0xd7: {  	_ =	sdelay $0x3  }
.LBB2_15:
0xd8: {  	v0 =	vld.msk [tilespmem:s4+$0xC0], $0x1;
	_ =	sdelay $0x4  }
0xd9: {  	(v2sf) =	vpush v0, $0x0;
	_ =	sdelay $0xe  }
0xda: {  	s0 =	spop (v2sf)  }
0xdb: {  	p0 =	seq.s32 s0, $0xFFFFFFFF  }
.Ltmp11:
0xdc: {  	_ = 	snop;
	(pc) =	sbr.rel @p0 .LBB2_22-.Ltmp11, $1  }
0xdd: {  	_ =	sdelay $0x3  }
0xde: {  	p0 =	slt.s32 s2, $0x1  }
.Ltmp12:
0xdf: {  	_ = 	snop;
	(pc) =	sbr.rel @p0 .LBB2_20-.Ltmp12, $1  }
0xe0: {  	_ =	sdelay $0x3  }
0xe1: {  	s5 =	simm.s32 $0xC0;
	p0 =	por $0x0, $0x0  }
0xe2: {  	v1 =	vld.msk @!p0 [tilespmem:s5+$0x0], $0x1;
	_ =	sdelay $0x4  }
0xe3: {  	(v2sf) =	vpush @!p0 v1, $0x0;
	_ =	sdelay $0xd  }
0xe4: {  	p2 =	sne.s32 s2, $0x1  }
.Ltmp13:
0xe5: {  	s6 =	spop @!p0 (v2sf);
	(pc) =	sbr.rel @!p2 .LBB2_19-.Ltmp13, $4  }
0xe6: {  	p1 =	seq.s32 @!p0 s0, s6  }
0xe7: {  	s6 =	simm.s32 $0x0;
	p1 =	por !p1, p0  }
0xe8: {  	s8 =	simm.s32 $0xFFFFFFFF;
	s6 =	simm.s32 @p1 $0xFFFFFFFF  }
0xe9: {  	s7 =	simm.s32 $0x1;
	s6 =	smov.u32 @p0 s8  }
.LBB2_18:
0xea: {  	s8 =	smov.u32 s6;
	p0 =	sne.s32 s6, $0xFFFFFFFF  }
0xeb: {  	s5 =	sadd.s32 $0x1, s5;
	s6 =	smov.u32 s7;
	s7 =	sadd.s32 $0x1, s7  }
0xec: {  	p1 =	sne.s32 s2, s7;
	v1 =	vld.msk @!p0 [tilespmem:s5+$0x0], $0x1;
	_ =	sdelay $0x4  }
0xed: {  	(v2sf) =	vpush @!p0 v1, $0x0;
	_ =	sdelay $0xe  }
.Ltmp14:
0xee: {  	s9 =	spop @!p0 (v2sf);
	(pc) =	sbr.rel @p1 .LBB2_18-.Ltmp14, $4  }
0xef: {  	p2 =	seq.s32 @!p0 s0, s9  }
0xf0: {  	p2 =	por !p2, p0  }
0xf1: {  	s6 =	simm.s32 @p2 $0xFFFFFFFF  }
0xf2: {  	s6 =	smov.u32 @p0 s8  }
.LBB2_19:
0xf3: {  	p0 =	sne.s32 s6, $0xFFFFFFFF  }
.Ltmp15:
0xf4: {  	_ = 	snop;
	(pc) =	sbr.rel @!p0 .LBB2_20-.Ltmp15, $1  }
0xf5: {  	_ =	sdelay $0x3  }
0xf6: {  	v0 =	vld.msk [tilespmem:s4+$0xE0], $0x1;
	v1 =	vmov s6  }
.Ltmp16:
0xf7: {  	_ = 	snop;
	(pc) =	sbr.rel .LBB2_22-.Ltmp16, $2  }
0xf8: {  	_ =	sdelay $0x2  }
0xf9: {  	[tilespmem:v1+s3+$0x0], v0 =	vst.idx.ret.add.f32.msk $0x1, v0  }
.LBB2_23:
0xfa: {  	p0 =	slt.s32 s2, $0x1  }
.Ltmp17:
0xfb: {  	_ = 	snop;
	(pc) =	sbr.rel @p0 .LBB2_27-.Ltmp17, $3  }
0xfc: {  	_ =	sdelay $0x1  }
0xfd: {  	s0 =	simm.s32 $0x6  }
0xfe: {  	[sflag:s0] =	ssyncpa.u1 $0x1;
	s0 =	simm.s32 $0x0  }
0xff: {  	s3 =	simm.s32 $0xC0  }
0x100: {  	v0 =	vld.msk [tilespmem:s3+$0x0], $0x1;
	_ =	sdelay $0x4  }
0x101: {  	(v2sf) =	vpush v0, $0x0;
	_ =	sdelay $0xe  }
0x102: {  	s2 =	sadd.s32 $0xFFFFFFFF, s2;
	s4 =	spop (v2sf)  }
0x103: {  	p1 =	sne.s32 s2, $0x0;
	p0 =	sgt.u32 s4, $0x3FF  }
.Ltmp18:
0x104: {  	s5 =	sshrl.u32 @!p0 s4, $0x3;
	(pc) =	sbr.rel @!p1 .LBB2_26-.Ltmp18, $4  }
0x105: {  	s3 =	simm.s32 $0xE0;
	s4 =	sand.u32 @!p0 $0x7, s4;
	s5 =	sadd.s32 @!p0 s1, s5  }
0x106: {  	[hbm4b:s5+s4] =	stream.linear.scatter @!p0 [tilespmem:s3], [sflag:$0x5], $0x1, $0x38;
	[tilespmem:$0xA20] =	vst v63  }
0x107: {  	s5 =	simm.s32 $0x0  }
0x108: {  	s4 =	simm.s32 $0xC1;
	s5 =	simm.s32 @!p0 $0x4  }
.LBB2_25:
0x109: {  	v0 =	vld.msk [tilespmem:s4+$0x0], $0x1;
	s2 =	sadd.s32 $0xFFFFFFFF, s2;
	s0 =	sadd.s32 s0, s5  }
0x10a: {  	p0 =	sne.s32 s2, $0x0;
	_ =	sdelay $0x3  }
0x10b: {  	(v2sf) =	vpush v0, $0x0;
	_ =	sdelay $0xe  }
.Ltmp19:
0x10c: {  	s6 =	spop (v2sf);
	(pc) =	sbr.rel @p0 .LBB2_25-.Ltmp19, $4  }
0x10d: {  	s5 =	simm.s32 $0x0;
	p1 =	sgt.u32 s6, $0x3FF  }
0x10e: {  	s3 =	sadd.s32 $0x1, s3;
	s5 =	simm.s32 @!p1 $0x4;
	s7 =	sshrl.u32 @!p1 s6, $0x3  }
0x10f: {  	s4 =	sadd.s32 $0x1, s4;
	s6 =	sand.u32 @!p1 $0x7, s6;
	s7 =	sadd.s32 @!p1 s1, s7  }
0x110: {  	[hbm4b:s7+s6] =	stream.linear.scatter @!p1 [tilespmem:s3], [sflag:$0x5], $0x1, $0x38;
	[tilespmem:$0xA20] =	vst v63  }
.LBB2_26:
0x111: {  	s0 =	sadd.s32 s0, s5  }
0x112: {  	s0 =	sshrl.u32 s0, $0x2  }
.LBB2_27:
0x113: {  	s1 =	simm.s32 $0x5  }
0x114: {  	_ =	swait.ge [sflag:s1], s0  }
0x115: {  	s28 =	ssub.s32 $0x0, s0;
	[sflag:s1] =	ssyncset.done $0x0  }
0x116: {  	[sflag:s1] =	ssyncadd.s32 s28  }
0x117: {  	[sflag:s1] =	ssyncpa.u1 $0x1  }
0x118: {  	s29 =	simm.s32 $0x1;
	_ =	sfence  }
0x119: {  	s30 =	simm.s32 $0x2;
	[sflag:s29] =	ssyncpa.u1 $0x1  }
0x11a: {  	[sflag:s30] =	ssyncpa.u1 $0x1  }
0x11b: {  	_ =	strace $0x9000004A  }
0x11c: {  	[bflag:$0x2] =	sbarrier.arrive $0xFFFF  }
0x11d: {  	s31 =	rddreg [dreg:$0x2]  }
0x11e: {  	s0 =	sadd.s32 $0x100000, s31  }
0x11f: {  	[sflag:s0] =	ssyncadd.tile.s32 $0x1;
	_ =	shalt  }
.Lfunc_end2:
_tile_overlayer_lowered:
.L_overlay_start_2:
0x120: {  	(tag) =	ssettag $0x2  }
0x121: {  	s0 =	rddreg [dreg:$0x0];
	s2 =	stileid.u32  }
0x122: {  	s1 =	rddreg [dreg:$0x1];
	p0 =	sne.s32 s2, $0x0  }
0x123: {  	s3 =	rddreg [dreg:$0x2];
	[bflag:$0x3] =	sbarrier.arrive $0xFFFF;
	s2 =	simm.s32 @!p0 $0x1C01  }
0x124: {  	[timem:s3], [sflag:s2] =	dma.local @!p0 [hbm:s0], s1  }
0x125: {  	s0 =	simm.s32 @!p0 $0x1  }
0x126: {  	_ =	swait.ge @!p0 [sflag:s0], s1  }
0x127: {  	s1 =	ssub.s32 @!p0 $0x0, s1;
	[sflag:s0] =	ssyncset.done @!p0 $0x0  }
0x128: {  	[sflag:s0] =	ssyncadd.s32 @!p0 s1  }
0x129: {  	[bflag:$0x3] =	sbarrier.arrive $0xFFFF  }
0x12a: {  	_ =	shalt  }

// kernel: scatter_offload_async_start.2
scs
__scs_entry_jumppad:
0x0: {  	(pc) =	sbr.rel $0x88, $3  }
0x1: {  	(tag) =	ssettag $0x0;
	lr =	simm.s32 $0x1  }
0x2: {  	[smem:$0x3F88] =	sst lr;
	_ =	strace $0xD0000000  }
0x3: {  	_ = 	snop  }
0x4: {  	_ = 	snop  }
0x5: {  	_ = 	snop  }
0x6: {  	_ = 	snop  }
0x7: {  	_ = 	snop  }
__scs_overlays_trampoline_lowered:
0x8: {  	[smem:$0x3F97] =	sst s0  }
0x9: {  	[smem:$0x3F98] =	sst s1  }
0xa: {  	[smem:$0x3F99] =	sst s2  }
0xb: {  	[smem:$0x3F9A] =	sst s3  }
0xc: {  	[smem:$0x3F9B] =	sst s4  }
0xd: {  	[smem:$0x3F9C] =	sst s5  }
0xe: {  	[smem:$0x3F9D] =	sst s6  }
0xf: {  	[smem:$0x3F9E] =	sst s7  }
0x10: {  	[smem:$0x3F9F] =	sst s8  }
0x11: {  	[smem:$0x3FA0] =	sst s9;
	s0 =	simm.s32 @!p0 $0x0  }
0x12: {  	s1 =	sld [smem:$0x3F86];
	s0 =	simm.s32 @p0 $0x1  }
0x13: {  	[smem:$0x3FA1] =	sst s0;
	s0 =	simm.s32 @!p1 $0x0  }
0x14: {  	s2 =	sld [smem:$0x3F85];
	s0 =	simm.s32 @p1 $0x1  }
0x15: {  	[smem:$0x3FA2] =	sst s0;
	s0 =	simm.s32 @!p2 $0x0  }
0x16: {  	s3 =	sld [smem:$0x3FDB];
	s0 =	simm.s32 @p2 $0x1  }
0x17: {  	s4 =	simm.s32 $0x1BF5;
	[smem:$0x3FA4] =	sst s0  }
0x18: {  	s0 =	sld [smem:$0x3F87];
	_ =	swait.ge [sflag:s4], $0x0  }
0x19: {  	s7 =	sld [smem:$0x3F88]  }
0x1a: {  	s8 =	sadd.s32 $0xFFFFE003, lr  }
0x1b: {  	s9 =	sadd.s32 $0xFFFFFEF7, lr;
	s5 =	simm.s32 $0xFFFFFFFF;
	p2 =	slt.u32 s8, $0xFFFFF086  }
0x1c: {  	p1 =	slt.u32 s9, $0xF7A;
	s5 =	simm.s32 @!p2 $0x0  }
0x1d: {  	s5 =	simm.s32 @p1 $0x1;
	p0 =	seq.s32 s7, s2  }
0x1e: {  	s7 =	smul.u32 @!p0 $0xF7A, s2;
	p2 =	seq.s32 @!p0 s5, $0x0  }
0x1f: {  	s9 =	smul.u32 $0xF7A, s1;
	s8 =	simm.s32 @!p0 $0x1BF5;
	p2 =	por !p2, p0  }
0x20: {  	[sflag:s8] =	ssyncset.s32 @!p0 $0xFFFFF086;
	s6 =	sadd.s32 @!p0 s3, s7;
	s7 =	simm.s32 @!p0 $0x108  }
0x21: {  	s3 =	sadd.s32 s3, s9;
	s6 =	sadd.s32 @!p0 $0x88, s6;
	s7 =	simm.s32 @p2 $0x1082  }
0x22: {  	[simem:s7], [sflag:s8] =	dma.local @!p0 [hbm:s6], $0xF7A  }
0x23: {  	s9 =	sor.u32 $0xD0000000, s2;
	s6 =	simm.s32 $0x108;
	_ =	swait.ge @!p0 [sflag:s8], $0x0  }
0x24: {  	s3 =	sadd.s32 $0x88, s3;
	s6 =	simm.s32 @!p1 $0x1082;
	[sflag:s4] =	ssyncset.s32 $0xFFFFF086  }
0x25: {  	[simem:s6], [sflag:s4] =	dma.local [hbm:s3], $0xF7A  }
0x26: {  	[smem:$0x3F88] =	sst s1;
	(tag) =	ssettag s2;
	_ =	strace s9  }
0x27: {  	s1 =	sld [smem:$0x3F98]  }
0x28: {  	s2 =	sld [smem:$0x3F99]  }
0x29: {  	s4 =	sld [smem:$0x3F9B]  }
0x2a: {  	p0 =	seq.s32 s5, $0x0;
	s5 =	sld [smem:$0x3F9C]  }
0x2b: {  	s6 =	sld [smem:$0x3F9D]  }
0x2c: {  	s7 =	sld [smem:$0x3F9E]  }
0x2d: {  	s3 =	simm.s32 $0x108;
	s8 =	sld [smem:$0x3F9F]  }
0x2e: {  	s3 =	simm.s32 @!p0 $0x1082;
	s9 =	sld [smem:$0x3FA0]  }
0x2f: {  	lr =	sadd.s32 s0, s3;
	s0 =	sld [smem:$0x3F97]  }
0x30: {  	s3 =	sld [smem:$0x3F9A]  }
0x31: {  	[smem:$0x3FA3] =	sst s10  }
0x32: {  	s10 =	sld [smem:$0x3FA1];
	_ =	sdelay $0x3  }
0x33: {  	p0 =	seq.s32 s10, $0x1;
	s10 =	sld [smem:$0x3FA3];
	_ =	sdelay $0x3  }
0x34: {  	[smem:$0x3FA3] =	sst s10  }
0x35: {  	s10 =	sld [smem:$0x3FA2];
	_ =	sdelay $0x3  }
0x36: {  	p1 =	seq.s32 s10, $0x1;
	s10 =	sld [smem:$0x3FA3];
	_ =	sdelay $0x3  }
0x37: {  	[smem:$0x3FA3] =	sst s10  }
0x38: {  	s10 =	sld [smem:$0x3FA4]  }
0x39: {  	_ = 	snop;
	(pc) =	sbr.ind lr, $3  }
0x3a: {  	_ = 	snop  }
0x3b: {  	_ = 	snop  }
0x3c: {  	p2 =	seq.s32 s10, $0x1;
	s10 =	sld [smem:$0x3FA3]  }
0x3d: {  	_ =	shalt  }
0x3e: {  	_ =	shalt  }
0x3f: {  	_ =	shalt  }
0x40: {  	_ =	shalt  }
0x41: {  	_ =	shalt  }
0x42: {  	_ =	shalt  }
0x43: {  	_ =	shalt  }
0x44: {  	_ =	shalt  }
0x45: {  	_ =	shalt  }
0x46: {  	_ =	shalt  }
0x47: {  	_ =	shalt  }
0x48: {  	_ =	shalt  }
0x49: {  	_ =	shalt  }
0x4a: {  	_ =	shalt  }
0x4b: {  	_ =	shalt  }
0x4c: {  	_ =	shalt  }
0x4d: {  	_ =	shalt  }
0x4e: {  	_ =	shalt  }
0x4f: {  	_ =	shalt  }
0x50: {  	_ =	shalt  }
0x51: {  	_ =	shalt  }
0x52: {  	_ =	shalt  }
0x53: {  	_ =	shalt  }
0x54: {  	_ =	shalt  }
0x55: {  	_ =	shalt  }
0x56: {  	_ =	shalt  }
0x57: {  	_ =	shalt  }
0x58: {  	_ =	shalt  }
0x59: {  	_ =	shalt  }
0x5a: {  	_ =	shalt  }
0x5b: {  	_ =	shalt  }
0x5c: {  	_ =	shalt  }
0x5d: {  	_ =	shalt  }
0x5e: {  	_ =	shalt  }
0x5f: {  	_ =	shalt  }
0x60: {  	_ =	shalt  }
0x61: {  	_ =	shalt  }
0x62: {  	_ =	shalt  }
0x63: {  	_ =	shalt  }
0x64: {  	_ =	shalt  }
0x65: {  	_ =	shalt  }
0x66: {  	_ =	shalt  }
0x67: {  	_ =	shalt  }
0x68: {  	_ =	shalt  }
0x69: {  	_ =	shalt  }
0x6a: {  	_ =	shalt  }
0x6b: {  	_ =	shalt  }
0x6c: {  	_ =	shalt  }
0x6d: {  	_ =	shalt  }
0x6e: {  	_ =	shalt  }
0x6f: {  	_ =	shalt  }
0x70: {  	_ =	shalt  }
0x71: {  	_ =	shalt  }
0x72: {  	_ =	shalt  }
0x73: {  	_ =	shalt  }
0x74: {  	_ =	shalt  }
0x75: {  	_ =	shalt  }
0x76: {  	_ =	shalt  }
0x77: {  	_ =	shalt  }
0x78: {  	_ =	shalt  }
0x79: {  	_ =	shalt  }
0x7a: {  	_ =	shalt  }
0x7b: {  	_ =	shalt  }
0x7c: {  	_ =	shalt  }
0x7d: {  	_ =	shalt  }
0x7e: {  	_ =	shalt  }
0x7f: {  	_ =	shalt  }
0x80: {  	_ =	shalt  }
0x81: {  	_ =	shalt  }
0x82: {  	_ =	shalt  }
0x83: {  	_ =	shalt  }
0x84: {  	_ =	shalt  }
0x85: {  	_ =	shalt  }
0x86: {  	_ =	shalt  }
0x87: {  	_ =	shalt  }
.Lfunc_end0:
.L_simem_size_0:
called_computation.2_lowered:
.L_overlay_start_0:
0x88: {  	s2 =	sld [smem:$0x3FD9]  }
0x89: {  	s3 =	sld [smem:$0x3FFE];
	_ =	sdelay $0x1  }
0x8a: {  	s1 =	srdreg.scid  }
0x8b: {  	s0 =	sand.u32 $0x1, s1  }
0x8c: {  	s15 =	sshll.u32 s0, $0xA;
	s2 =	sadd.s32 s3, s2  }
0x8d: {  	s2 =	sadd.s32 s2, s15  }
0x8e: {  	[smem:$0x3FAF] =	sst s2  }
0x8f: {  	_ = 	snop  }
0x90: {  	s2 =	sld [smem:$0x3FD0];
	_ =	sdelay $0x2  }
0x91: {  	s16 =	simm.s32 $0xB;
	s4 =	simm.s32 $0x10  }
0x92: {  	[smem:s4], [sflag:s16] =	dma.local [hbm:s2], $0x1  }
0x93: {  	_ =	swait.eq [sflag:s16], $0x1  }
0x94: {  	[sflag:s16] =	ssyncset.done $0x0  }
0x95: {  	[sflag:s16] =	ssyncadd.s32 $0xFFFFFFFF  }
0x96: {  	s17 =	sld [smem:$0x10];
	(tm) =	ssettm $0x1  }
0x97: {  	s18 =	sld [smem:$0x3FFB];
	_ =	sdelay $0x3  }
0x98: {  	_ =	strace s18  }
0x99: {  	s2 =	sld [smem:$0x3FFC];
	_ =	sdelay $0x3  }
0x9a: {  	_ =	strace s2  }
0x9b: {  	s2 =	sld [smem:$0x3FFD];
	_ =	sdelay $0x3  }
0x9c: {  	_ =	strace s2  }
0x9d: {  	_ =	strace $0x8FFFFFFF  }
0x9e: {  	s19 =	sld [smem:$0x3FDB];
	_ =	sdelay $0x1  }
0x9f: {  	s20 =	simm.s32 $_scs_section_size  }
0xa0: {  	s5 =	simm.s32 $_size__tile_overlayer_lowered;
	s6 =	simm.s32 $_tile_overlayer_lowered  }
0xa1: {  	s7 =	simm.s32 $0x1BFF;
	s21 =	sshll.u32 s6, $0x1;
	s4 =	sadd.s32 s20, s19  }
0xa2: {  	s22 =	simm.s32 $0x0;
	s5 =	sshll.u32 s5, $0x1;
	s6 =	sadd.s32 s21, s4  }
0xa3: {  	[timem:s22], [sflag:s7] =	dma.local [hbm:s6], s5  }
0xa4: {  	_ =	swait.ge [sflag:s7], s5  }
0xa5: {  	s5 =	ssub.s32 $0x0, s5;
	[sflag:s7] =	ssyncset.done $0x0  }
0xa6: {  	[sflag:s7] =	ssyncadd.s32 s5;
	_ =	sdelay $0x1  }
0xa7: {  	s23 =	simm.s32 $0x1B8B  }
0xa8: {  	_ =	swait.ge [sflag:s23], $0x1  }
0xa9: {  	[sflag:s23] =	ssyncset.done $0x0  }
0xaa: {  	[sflag:s23] =	ssyncadd.s32 $0xFFFFFFFF  }
0xab: {  	s5 =	sld [smem:$0x0]  }
0xac: {  	s6 =	sand.u32 $0xFFFFFFFE, s1  }
0xad: {  	p0 =	sne.s32 s1, s6  }
0xae: {  	s6 =	sshll.u32 @p0 s6, $0xE  }
0xaf: {  	s6 =	sadd.s32 @p0 $0x11B8D, s6;
	s7 =	sshll.u32 @p0 s5, $0x11  }
0xb0: {  	s6 =	sor.u32 @p0 s7, s6  }
0xb1: {  	[sflag:s6] =	ssyncadd.remote.s32 @p0 $0x1;
	_ =	sdelay $0x1  }
0xb2: {  	s6 =	simm.s32 @p0 $0x1B8D  }
0xb3: {  	_ =	swait.eq @p0 [sflag:s6], $0x1  }
0xb4: {  	[sflag:s6] =	ssyncadd.s32 @p0 $0xFFFFFFFF  }
0xb5: {  	s7 =	sshll.u32 @!p0 s1, $0xE  }
0xb6: {  	s7 =	sor.u32 @!p0 $0x4000, s7;
	s6 =	simm.s32 @!p0 $0x1B8D  }
0xb7: {  	s8 =	sshll.u32 @!p0 s5, $0x11;
	s7 =	sadd.s32 @!p0 $0x11B8D, s7;
	_ =	swait.eq @!p0 [sflag:s6], $0x1  }
0xb8: {  	[sflag:s6] =	ssyncadd.s32 @!p0 $0xFFFFFFFF;
	s6 =	sor.u32 @!p0 s8, s7  }
0xb9: {  	s25 =	simm.s32 $0x1B8E;
	s24 =	sld [smem:$0x3FFE];
	[sflag:s6] =	ssyncadd.remote.s32 @!p0 $0x1  }
0xba: {  	s26 =	simm.s32 $execute0_lowered;
	[smem:$0x3FD2] =	sst s25  }
0xbb: {  	s7 =	sshll.u32 s26, $0x1;
	_ =	strace $0x8000004C;
	[dreg:$0x1] =	wrdreg $0xFFFFFFFF  }
0xbc: {  	s28 =	simm.s32 $_size_execute0_lowered;
	s4 =	sadd.s32 s4, s7;
	[dreg:$0x0] =	wrdreg $0x0  }
0xbd: {  	s7 =	sshll.u32 s28, $0x1;
	[dreg:$0x2] =	wrdreg s4  }
0xbe: {  	[dreg:$0x3] =	wrdreg s7  }
0xbf: {  	[dreg:$0x4] =	wrdreg $0xC0  }
0xc0: {  	_ =	task [dreg:s22], $0x5FFFF  }
0xc1: {  	[dreg:$0x1] =	wrdreg $0xFFFFFFFF  }
0xc2: {  	[dreg:$0x0] =	wrdreg $0x60  }
0xc3: {  	[dreg:$0x2] =	wrdreg s17  }
0xc4: {  	[dreg:$0x3] =	wrdreg s24  }
0xc5: {  	[dreg:$0x4] =	wrdreg s1  }
0xc6: {  	[dreg:$0x5] =	wrdreg s5  }
0xc7: {  	[dreg:$0x6] =	wrdreg $0xA  }
0xc8: {  	_ =	task.clear_ibuf [dreg:s22], $0x7FFFF;
	_ =	strace $0x9000004C  }
0xc9: {  	s29 =	simm.s32 $0xA;
	_ =	strace $0x8000004E  }
0xca: {  	_ =	swait.ge [sflag:s29], $0x1  }
0xcb: {  	[sflag:s29] =	ssyncadd.s32 $0xFFFFFFFF  }
0xcc: {  	_ =	strace $0x9000004E  }
0xcd: {  	_ =	sfence  }
0xce: {  	s30 =	sld [smem:$0x0];
	_ =	sdelay $0x2  }
0xcf: {  	s31 =	sshll.u32 s1, $0xD;
	s1 =	sshrl.u32 s1, $0x2  }
0xd0: {  	s4 =	sand.u32 $0x4000, s31;
	s1 =	sadd.s32 s1, s30  }
0xd1: {  	s0 =	sor.u32 s4, s0;
	s1 =	sshll.u32 s1, $0x11  }
0xd2: {  	s0 =	sor.u32 s1, s0  }
0xd3: {  	s0 =	sadd.s32 $0x8F2B, s0  }
0xd4: {  	[sflag:s0] =	ssyncadd.remote.s32 $0x1  }
0xd5: {  	_ =	sfence.sel $0xFFFF  }
0xd6: {  	[dreg:$0x0] =	wrdreg $0xFFFFFFFF;
	(pc) =	sbr.abs _section_cstart, $3  }
0xd7: {  	[dreg:$0x1] =	wrdreg $0xFFFFFFFF  }
0xd8: {  	_ =	task.clear_ibuf [dreg:s22], $0x2FFFF;
	_ =	strace $0x9FFFFFFF  }
0xd9: {  	(tm) =	ssettm $0x7FFFFFFF  }
tec
execute0_lowered:
.L_overlay_start_1:
0x0: {  	(tag) =	ssettag $0x1  }
0x1: {  	s1 =	rddreg [dreg:$0x0]  }
0x2: {  	s2 =	rddreg [dreg:$0x1]  }
0x3: {  	s3 =	rddreg [dreg:$0x2];
	_ =	strace $0x8000004D;
	s0 =	simm.s32 $0x1  }
0x4: {  	s4 =	simm.s32 $0x408;
	v0 =	vimm.s32 $0x0;
	[sflag:s0] =	ssyncpa.u1 $0x0  }
0x5: {  	[tilespmem:s4+$0x70] =	vst v0  }
0x6: {  	[tilespmem:s4+$0x60] =	vst v0  }
0x7: {  	[tilespmem:s4+$0x50] =	vst v0  }
0x8: {  	[tilespmem:s4+$0x40] =	vst v0  }
0x9: {  	s5 =	simm.s32 $0x40;
	[tilespmem:s4+$0x30] =	vst v0  }
0xa: {  	s0 =	sadd.s32 $0x1A00, s2;
	s7 =	sadd.s32 $0x2200, s2;
	s3 =	sand.u32 $0x1, s3;
	[tilespmem:s4+$0x20] =	vst v0  }
0xb: {  	s2 =	sadd.s32 $0x1C00, s2;
	[dreg:$0x5] =	wrdreg s3;
	s3 =	sshll.u32 s3, $0x8;
	[tilespmem:s4+$0x10] =	vst v0  }
.LBB2_1:
0xc: {  	s5 =	sadd.s32 $0x40, s5;
	[tilespmem:s4+$0x0] =	vst v0;
	s4 =	sadd.s32 $0x80, s4  }
0xd: {  	p0 =	slt.u32 s5, $0x3100;
	[tilespmem:s4+$0x70] =	vst v0  }
0xe: {  	[tilespmem:s4+$0x60] =	vst v0  }
.Ltmp0:
0xf: {  	[tilespmem:s4+$0x50] =	vst v0;
	(pc) =	sbr.rel @p0 .LBB2_1-.Ltmp0, $4  }
0x10: {  	[tilespmem:s4+$0x40] =	vst v0  }
0x11: {  	[tilespmem:s4+$0x30] =	vst v0  }
0x12: {  	[tilespmem:s4+$0x20] =	vst v0  }
0x13: {  	[tilespmem:s4+$0x10] =	vst v0  }
0x14: {  	s8 =	stileid.u32  }
0x15: {  	s6 =	sshll.u32 s8, $0x1;
	s5 =	smin.u32 s8, $0xB  }
0x16: {  	s5 =	sadd.s32 s5, s6  }
0x17: {  	p0 =	slt.u32 s8, $0xB;
	s12 =	smul.u32 $0x30, s5;
	s5 =	simm.s32 $0x90  }
0x18: {  	s5 =	simm.s32 @!p0 $0x60  }
0x19: {  	s5 =	sadd.s32 s5, s12  }
0x1a: {  	s9 =	smin.u32 s5, $0x800  }
0x1b: {  	s28 =	simm.s32 $0x2;
	s5 =	ssub.s32 s9, s12  }
0x1c: {  	s10 =	simm.s32 $0x9;
	s30 =	simm.s32 $0xA;
	p0 =	sgt.s32 s5, $0x0  }
0x1d: {  	s31 =	simm.s32 $0xB;
	s13 =	simm.s32 $0x1;
	s5 =	simm.s32 @!p0 $0x0  }
0x1e: {  	s15 =	sadd.s32 s3, s2;
	s16 =	sadd.s32 s3, s0;
	s26 =	smul.u32 $0xAAAB, s5  }
0x1f: {  	s25 =	simm.s32 $0x0;
	p1 =	por $0x0, $0x0;
	s19 =	simm.s32 $0x80  }
0x20: {  	s20 =	simm.s32 $0x400;
	s21 =	simm.s32 $0xC;
	s29 =	sshrl.u32 s26, $0x15  }
0x21: {  	s22 =	simm.s32 $0x0;
	[dreg:$0x6] =	wrdreg s6;
	s6 =	smul.u32 $0x30, s29  }
0x22: {  	[tilespmem:s4+$0x0] =	vst v0;
	s24 =	simm.s32 $0x0;
	[sflag:s28] =	ssyncpa.u1 $0x0;
	s17 =	sshll.u32 s8, $0xA  }
.Ltmp1:
0x23: {  	v0 =	vimm.s32 $0xFFFFFFFF;
	p0 =	sne.s32 s5, s6;
	s5 =	simm.s32 $0x1;
	(pc) =	sbr.rel .LBB2_3-.Ltmp1, $4  }
0x24: {  	[dreg:$0x8] =	wrdreg s15;
	[tilespmem:$0xC808] =	vst v0;
	[sflag:s10] =	ssyncpa.u1 $0x0;
	s5 =	simm.s32 @!p0 $0x0  }
0x25: {  	[dreg:$0x9] =	wrdreg s16;
	[sflag:s30] =	ssyncpa.u1 $0x0;
	s14 =	sadd.s32 s29, s5  }
0x26: {  	[sflag:s31] =	ssyncpa.u1 $0x0;
	s18 =	sadd.s32 $0x1, s14;
	[dreg:$0x7] =	wrdreg s14  }
0x27: {  	v0 =	vlaneseq.u32;
	s23 =	smov.u32 s12;
	p0 =	por $0x1, $0x1;
	[dreg:$0xa] =	wrdreg s18  }
.LBB2_30:
0x28: {  	s2 =	sshrl.u32 s4, $0x2  }
.LBB2_32:
0x29: {  	_ =	swait.ge [sflag:s21], s2  }
0x2a: {  	s31 =	ssub.s32 $0x0, s2;
	v1 =	vmov s28;
	vm0 =	veq.s32 v0, $0x0;
	[sflag:s21] =	ssyncset.done $0x0  }
0x2b: {  	vm15 =	veq.s32 v0, $0x2;
	v1 =	vsel vm0, s0, v1;
	[sflag:s21] =	ssyncadd.s32 s31  }
0x2c: {  	v1 =	vsel vm15, s25, v1;
	[sflag:s21] =	ssyncpa.u1 $0x1  }
0x2d: {  	[tilespmem:$0xC808] =	vst v1  }
.LBB2_33:
0x2e: {  	s0 =	sadd.s32 $0x30, s23  }
0x2f: {  	s2 =	smov.u32 s12;
	p2 =	slt.s32 s0, s9  }
0x30: {  	s2 =	smov.u32 @p2 s0;
	p2 =	sne.s32 s24, s18  }
.Ltmp2:
0x31: {  	_ = 	snop;
	(pc) =	sbr.rel @!p2 .LBB2_34-.Ltmp2, $4  }
0x32: {  	_ = 	snop  }
0x33: {  	s25 =	smov.u32 s22  }
0x34: {  	s31 =	sadd.s32 $0x1, s24;
	s22 =	smov.u32 s23;
	p0 =	por !p0, !p0  }
0x35: {  	p1 =	por !p1, !p1;
	s24 =	smov.u32 s31;
	s23 =	smov.u32 s2  }
.LBB2_3:
0x36: {  	p2 =	sge.u32 s24, s14  }
0x37: {  	s0 =	smulhi.u32 @!p2 $0xAAAAAAAB, s24  }
0x38: {  	s2 =	smov.u32 s23;
	p3 =	sgt.s32 @!p2 s23, $0x7D0  }
0x39: {  	s3 =	sshra.s32 @!p2 s23, $0x1F;
	p3 =	por !p3, p2;
	s0 =	sshrl.u32 @!p2 s0, $0x1  }
0x3a: {  	s3 =	sand.u32 @!p2 s3, s23;
	s2 =	simm.s32 @p3 $0x7D0;
	s0 =	smul.u32 @!p2 $0x3, s0  }
0x3b: {  	s2 =	ssub.s32 @!p2 s2, s3  }
0x3c: {  	s2 =	sadd.s32 @!p2 $0xFFFFF830, s2;
	s0 =	ssub.s32 @!p2 s24, s0  }
0x3d: {  	s3 =	sshll.u32 @!p2 s2, $0x2;
	p3 =	sgt.s32 @!p2 s2, $0x2F;
	s0 =	smul.u32 @!p2 $0xC0, s0  }
0x3e: {  	s4 =	sand.u32 @!p2 $0x7, s23;
	s2 =	ssub.s32 @!p2 $0xC0, s3;
	p3 =	por !p3, p2  }
0x3f: {  	s3 =	sshrl.u32 @!p2 s23, $0x3;
	s2 =	sshrl.u32 @!p2 s2, $0x2;
	s0 =	sshrl.u32 @!p2 s0, $0x2  }
0x40: {  	s3 =	sadd.s32 @!p2 s3, s15;
	s2 =	simm.s32 @!p3 $0x0;
	s0 =	sadd.s32 @!p2 $0x10848, s0  }
0x41: {  	[tilespmem:s0], [sflag:$0xA] =	stream.linear.gather @!p2 [hbm4b:s3+s4], s2, $0x38;
	[tilespmem:$0x1C938] =	vst v63  }
0x42: {  	s2 =	sadd.s32 $0xFFFFFFFF, s24  }
0x43: {  	p2 =	sge.u32 s2, s14  }
0x44: {  	p3 =	sgt.s32 @!p2 s22, $0x7D0  }
0x45: {  	s0 =	smov.u32 s22;
	s3 =	sshra.s32 @!p2 s22, $0x1F;
	p3 =	por !p3, p2  }
0x46: {  	s3 =	sand.u32 @!p2 s3, s22;
	s0 =	simm.s32 @p3 $0x7D0  }
0x47: {  	s0 =	ssub.s32 @!p2 s0, s3  }
0x48: {  	s0 =	sadd.s32 @!p2 $0xFFFFF830, s0  }
0x49: {  	s3 =	sshll.u32 @!p2 s0, $0x2  }
0x4a: {  	p3 =	sgt.s32 @!p2 s0, $0x2F;
	s0 =	ssub.s32 @!p2 $0xC0, s3  }
0x4b: {  	p3 =	por !p3, p2;
	s0 =	sshrl.u32 @!p2 s0, $0x2  }
0x4c: {  	s4 =	simm.s32 @!p2 $0xA;
	s3 =	sand.u32 @!p2 $0x1, s2;
	s0 =	simm.s32 @!p3 $0x0  }
0x4d: {  	s3 =	smul.u32 @!p2 $0xC0, s3;
	_ =	swait.ge @!p2 [sflag:s4], s0  }
0x4e: {  	s5 =	ssub.s32 @!p2 $0x0, s0;
	[sflag:s4] =	ssyncset.done @!p2 $0x0  }
0x4f: {  	s3 =	sshrl.u32 @!p2 s3, $0x2;
	[sflag:s4] =	ssyncadd.s32 @!p2 s5;
	s4 =	sshrl.u32 @!p2 s22, $0x3  }
0x50: {  	s3 =	sadd.s32 @!p2 $0x108D8, s3;
	s5 =	sand.u32 @!p2 $0x7, s22;
	s4 =	sadd.s32 @!p2 s4, s16  }
0x51: {  	[tilespmem:s3], [sflag:$0xB] =	stream.linear.gather @!p2 [hbm4b:s4+s5], s0, $0x38;
	[tilespmem:$0x1C938] =	vst v63  }
0x52: {  	s0 =	ssub.s32 @!p2 $0x800, s22  }
0x53: {  	p3 =	slt.s32 @!p2 s0, $0x1  }
0x54: {  	p3 =	por p2, p3  }
.Ltmp3:
0x55: {  	_ = 	snop;
	(pc) =	sbr.rel @p3 .LBB2_9-.Ltmp3, $1  }
0x56: {  	_ =	sdelay $0x3  }
0x57: {  	s3 =	smulhi.u32 $0xAAAAAAAB, s2;
	_ =	sdelay $0x1  }
0x58: {  	s3 =	sshrl.u32 s3, $0x1  }
0x59: {  	s3 =	smul.u32 $0x3, s3;
	_ =	sdelay $0x1  }
0x5a: {  	s29 =	ssub.s32 s2, s3  }
0x5b: {  	s4 =	simm.s32 $0x1;
	s2 =	smul.u32 $0xC0, s29  }
.Ltmp4:
0x5c: {  	s4 =	simm.s32 @!p0 $0x0;
	(pc) =	sbr.rel .LBB2_6-.Ltmp4, $4  }
0x5d: {  	s30 =	smul.u32 $0x18000, s4  }
0x5e: {  	p3 =	slt.s32 @!p2 s0, $0x30;
	s2 =	sshrl.u32 s2, $0x2  }
0x5f: {  	p2 =	por !p3, p2;
	s3 =	sshrl.u32 s30, $0x2;
	s31 =	sadd.s32 $0x10848, s2  }
0x60: {  	s0 =	simm.s32 @p2 $0x30;
	s2 =	sor.u32 $0x10938, s3;
	s3 =	simm.s32 $0x0;
	v1 =	vmov s31  }
.LBB2_5:
0x61: {  	p2 =	sge.s32 s3, s0  }
.Ltmp5:
0x62: {  	_ = 	snop;
	(pc) =	sbr.rel @p2 .LBB2_9-.Ltmp5, $2  }
0x63: {  	_ =	sdelay $0x2  }
0x64: {  	s2 =	sadd.s32 $0x2000, s2  }
.LBB2_6:
0x65: {  	p2 =	sle.s32 s0, s3  }
.Ltmp6:
0x66: {  	_ = 	snop;
	(pc) =	sbr.rel @p2 .LBB2_5-.Ltmp6, $2  }
0x67: {  	_ =	sdelay $0x2  }
0x68: {  	s4 =	smov.u32 s3;
	s3 =	sadd.s32 $0x10, s3  }
0x69: {  	s5 =	ssub.s32 s0, s4  }
0x6a: {  	p2 =	slt.s32 s5, $0x10  }
0x6b: {  	s5 =	simm.s32 @!p2 $0x10  }
0x6c: {  	v2 =	vmov s5  }
0x6d: {  	vm0 =	vgt.s32 v2, v0;
	_ =	sdelay $0x5  }
0x6e: {  	v2 =	vld.idx.msk [tilespmem:v1+s4+$0x0 ss:$0x1], vm0;
	_ =	sdelay $0x2  }
0x6f: {  	p2 =	slt.s32 s3, s0;
	s5 =	smov.u32 s0  }
0x70: {  	s6 =	smov.u32 s2;
	s10 =	simm.s32 $0x0;
	s5 =	smov.u32 @p2 s3  }
.LBB2_8:
0x71: {  	(v2sf) =	vpush v2, s10;
	_ =	sdelay $0xe  }
0x72: {  	s10 =	sadd.s32 $0x1, s10;
	s11 =	spop (v2sf)  }
0x73: {  	s31 =	sadd.s32 s10, s4;
	s26 =	sshll.u32 s11, $0x9;
	s11 =	sshll.u32 s11, $0x7  }
0x74: {  	p2 =	slt.s32 s31, s5;
	s26 =	sand.u32 $0xFFFFF000, s26;
	s11 =	sand.u32 $0x380, s11  }
.Ltmp7:
0x75: {  	s11 =	sor.u32 s11, s26;
	(pc) =	sbr.rel @p2 .LBB2_8-.Ltmp7, $4  }
0x76: {  	s11 =	sshrl.u32 s11, $0x3  }
0x77: {  	s11 =	sadd.s32 s7, s11  }
0x78: {  	[tilespmem:s6], [sflag:$0x9] =	stream.strided.gather [hbm4b:s11+s19], $0x200, s20, s19, $0x38;
	[tilespmem:$0x1C938] =	vst v63  }
0x79: {  	s6 =	sadd.s32 $0x200, s6  }
.Ltmp8:
0x7a: {  	_ = 	snop;
	(pc) =	sbr.rel .LBB2_5-.Ltmp8, $1  }
0x7b: {  	_ =	sdelay $0x3  }
.LBB2_9:
0x7c: {  	p2 =	slt.u32 s24, $0x2  }
.Ltmp9:
0x7d: {  	_ = 	snop;
	(pc) =	sbr.rel @p2 .LBB2_33-.Ltmp9, $1  }
0x7e: {  	_ =	sdelay $0x3  }
0x7f: {  	p2 =	sgt.s32 s25, $0x7D0  }
0x80: {  	s0 =	smov.u32 s25;
	s2 =	sshra.s32 s25, $0x1F;
	s3 =	ssub.s32 $0x800, s25  }
0x81: {  	s0 =	simm.s32 @!p2 $0x7D0;
	s2 =	sand.u32 s2, s25;
	p2 =	slt.s32 s3, $0x30  }
0x82: {  	s0 =	ssub.s32 s0, s2;
	s3 =	simm.s32 @!p2 $0x30  }
0x83: {  	s0 =	sadd.s32 $0xFFFFF830, s0;
	s26 =	sshll.u32 s3, $0x9  }
0x84: {  	s30 =	simm.s32 $0x9;
	s28 =	sshll.u32 s0, $0x2;
	s2 =	sand.u32 $0x3FFFFE00, s26  }
0x85: {  	p2 =	sgt.s32 s0, $0x2F;
	s29 =	ssub.s32 $0xC0, s28;
	_ =	swait.ge [sflag:s30], s2  }
0x86: {  	s2 =	ssub.s32 $0x0, s2;
	[sflag:s30] =	ssyncset.done $0x0;
	s0 =	sshrl.u32 s29, $0x2  }
0x87: {  	s31 =	simm.s32 $0xB;
	[sflag:s30] =	ssyncadd.s32 s2;
	s0 =	simm.s32 @p2 $0x0  }
0x88: {  	_ =	swait.ge [sflag:s31], s0  }
0x89: {  	s0 =	ssub.s32 $0x0, s0;
	[sflag:s31] =	ssyncset.done $0x0  }
0x8a: {  	[sflag:s31] =	ssyncadd.s32 s0  }
0x8b: {  	v1 =	vld [tilespmem:$0xC808];
	_ =	sdelay $0x4  }
0x8c: {  	(v2sf) =	vpush v1, $0x0  }
0x8d: {  	(v2sf) =	vpush v1, $0x1  }
0x8e: {  	(v2sf) =	vpush v1, $0x2;
	_ =	sdelay $0x3  }
0x8f: {  	s2 =	sadd.s32 $0x30, s25  }
0x90: {  	s3 =	ssub.s32 $0x1000, s25;
	p2 =	slt.s32 s9, s2  }
0x91: {  	s2 =	smov.u32 @p2 s9;
	p2 =	sgt.s32 s3, $0x0  }
0x92: {  	s26 =	ssub.s32 s2, s25;
	s3 =	simm.s32 @!p2 $0x0  }
0x93: {  	p2 =	slt.s32 s3, s26  }
0x94: {  	s26 =	smov.u32 @p2 s3  }
0x95: {  	s0 =	simm.s32 $0x1;
	p2 =	slt.s32 s26, $0x1  }
.Ltmp10:
0x96: {  	s0 =	simm.s32 @!p1 $0x0;
	(pc) =	sbr.rel @p2 .LBB2_14-.Ltmp10, $4  }
0x97: {  	s4 =	smul.u32 $0xC0, s0  }
0x98: {  	s2 =	spop (v2sf)  }
0x99: {  	s4 =	sshrl.u32 s4, $0x2;
	s3 =	spop (v2sf)  }
0x9a: {  	s4 =	sadd.s32 $0x108D8, s4;
	s25 =	spop (v2sf)  }
0x9b: {  	s5 =	smin.u32 s26, $0x10  }
0x9c: {  	v1 =	vmov s5  }
0x9d: {  	vm1 =	vgt.u32 v1, v0  }
0x9e: {  	p3 =	sgt.s32 s26, $0x10  }
.Ltmp11:
0x9f: {  	_ = 	snop;
	(pc) =	sbr.rel @!p3 .LBB2_13-.Ltmp11, $2  }
0xa0: {  	_ =	sdelay $0x2  }
0xa1: {  	s6 =	simm.s32 $0x10;
	s10 =	sadd.s32 $0xFFFFFFF0, s26;
	s5 =	smov.u32 s4;
	vm0 =	vmmov vm1;
	v1 =	vld.msk [tilespmem:s4+$0x0 ss:$0x1], vm1  }
.LBB2_12:
0xa2: {  	s11 =	smin.u32 s10, $0x10;
	s6 =	sadd.s32 $0x10, s6  }
0xa3: {  	v2 =	vmov s11;
	p3 =	slt.s32 s6, s26  }
0xa4: {  	vm1 =	vgt.u32 v2, v0;
	_ =	sdelay $0x1  }
0xa5: {  	v2 =	vshll.u32 v1, $0x6;
	v1 =	vshll.u32 v1, $0x4  }
.Ltmp12:
0xa6: {  	v2 =	vand.u32 $0xFFFFFE00, v2;
	v1 =	vand.u32 $0x70, v1;
	(pc) =	sbr.rel @p3 .LBB2_12-.Ltmp12, $4  }
0xa7: {  	v1 =	vor.u32 v1, v2  }
0xa8: {  	[tilespmem:s5+$0x0] =	vst.msk vm0, v1;
	s5 =	sadd.s32 $0x10, s5;
	vm0 =	vmmov vm1  }
0xa9: {  	v1 =	vld.msk [tilespmem:s5+$0x0 ss:$0x1], vm1  }
0xaa: {  	s10 =	sadd.s32 $0xFFFFFFF0, s10  }
.LBB2_13:
0xab: {  	_ =	sdelay $0x3  }
0xac: {  	v2 =	vshll.u32 v1, $0x6;
	v1 =	vshll.u32 v1, $0x4  }
0xad: {  	v2 =	vand.u32 $0xFFFFFE00, v2;
	v1 =	vand.u32 $0x70, v1  }
0xae: {  	v1 =	vor.u32 v1, v2  }
0xaf: {  	[tilespmem:s5+$0x0] =	vst.msk vm0, v1  }
.LBB2_14:
0xb0: {  	s5 =	sand.u32 $0x1, s24  }
0xb1: {  	s5 =	smul.u32 $0x30, s5  }
0xb2: {  	p3 =	sne.s32 s3, $0xFFFFFFFF  }
0xb3: {  	v1 =	vld.msk @!p3 [tilespmem:s5+$0x108D8], $0x1;
	_ =	sdelay $0x4  }
0xb4: {  	(v2sf) =	vpush @!p3 v1, $0x0;
	_ =	sdelay $0xc  }
.Ltmp13:
0xb5: {  	_ = 	snop;
	(pc) =	sbr.rel @p2 .LBB2_31-.Ltmp13, $4  }
0xb6: {  	_ = 	snop  }
0xb7: {  	s31 =	spop @!p3 (v2sf)  }
0xb8: {  	s25 =	simm.s32 @!p3 $0x0;
	s28 =	smov.u32 s31  }
0xb9: {  	[sflag:s21] =	ssyncpa.u1 $0x0;
	s31 =	smov.u32 @p3 s2;
	s28 =	smov.u32 @p3 s3  }
0xba: {  	v1 =	vld.msk [tilespmem:s4+$0x0], $0x1;
	_ =	sdelay $0x4  }
0xbb: {  	(v2sf) =	vpush v1, $0x0;
	_ =	sdelay $0xd  }
0xbc: {  	s14 =	smov.u32 s9  }
0xbd: {  	s9 =	smov.u32 s12;
	s0 =	smul.u32 $0x18000, s0;
	s2 =	spop (v2sf)  }
0xbe: {  	s3 =	ssub.s32 $0x0, s26;
	s6 =	smov.u32 s31;
	p2 =	seq.s32 s31, s2  }
0xbf: {  	s30 =	simm.s32 $0x0;
	s0 =	sshrl.u32 s0, $0x2;
	p3 =	sgt.s32 @!p2 s31, $0x0  }
0xc0: {  	s4 =	sadd.s32 $0x1, s4;
	s29 =	sor.u32 $0x10938, s0;
	p3 =	por !p3, p2  }
0xc1: {  	s0 =	sadd.s32 $0x108D8, s5;
	s5 =	sadd.s32 $0x1, s3;
	s6 =	simm.s32 @p3 $0x0  }
0xc2: {  	s3 =	simm.s32 @!p2 $0x1;
	s10 =	simm.s32 @!p2 $0x6608;
	s11 =	smin.u32 @!p2 s6, $0xFE70  }
0xc3: {  	p3 =	seq.s32 s5, $0x0;
	s6 =	sand.u32 @!p2 $0xFFF8, s11;
	s12 =	sadd.s32 @!p2 $0x80, s11  }
0xc4: {  	s15 =	sadd.s32 @!p2 $0x100, s11;
	s16 =	sadd.s32 @!p2 s1, s6;
	s6 =	sand.u32 @!p2 $0x7, s11  }
0xc5: {  	s12 =	sand.u32 @!p2 $0x1FFF8, s12;
	s15 =	sand.u32 @!p2 $0x1FFF8, s15;
	s11 =	sadd.s32 @!p2 $0x180, s11  }
0xc6: {  	[tilespmem:s10], [sflag:$0x2] =	stream.linear.gather @!p2 [hbm4b:s16+s6], $0x80, $0x38;
	[tilespmem:$0x1C938] =	vst v63  }
.Ltmp14:
0xc7: {  	s10 =	simm.s32 @!p2 $0x6688;
	s12 =	sadd.s32 @!p2 s1, s12;
	(pc) =	sbr.rel @p3 .LBB2_17-.Ltmp14, $4  }
0xc8: {  	[tilespmem:s10], [sflag:$0x2] =	stream.linear.gather @!p2 [hbm4b:s12+s6], $0x80, $0x38;
	[tilespmem:$0x1C938] =	vst v63  }
0xc9: {  	s11 =	sand.u32 @!p2 $0x1FFF8, s11;
	s10 =	simm.s32 @!p2 $0x6708;
	s12 =	sadd.s32 @!p2 s1, s15  }
0xca: {  	[tilespmem:s10], [sflag:$0x2] =	stream.linear.gather @!p2 [hbm4b:s12+s6], $0x80, $0x38;
	[tilespmem:$0x1C938] =	vst v63  }
0xcb: {  	s3 =	smov.u32 @p2 s30;
	s11 =	sadd.s32 @!p2 s1, s11;
	s10 =	simm.s32 @!p2 $0x6788  }
.LBB2_16:
0xcc: {  	s12 =	smov.u32 s3  }
0xcd: {  	[tilespmem:s10], [sflag:$0x2] =	stream.linear.gather @!p2 [hbm4b:s11+s6], $0x80, $0x38;
	[tilespmem:$0x1C938] =	vst v63  }
0xce: {  	s5 =	sadd.s32 $0x1, s5;
	s6 =	smov.u32 s2  }
0xcf: {  	p3 =	seq.s32 s5, $0x0;
	v1 =	vld.msk [tilespmem:s4+$0x0], $0x1;
	_ =	sdelay $0x4  }
0xd0: {  	(v2sf) =	vpush v1, $0x0;
	_ =	sdelay $0xe  }
0xd1: {  	s2 =	spop (v2sf)  }
0xd2: {  	p2 =	seq.s32 s6, s2  }
0xd3: {  	p4 =	sgt.s32 @!p2 s6, $0x0  }
0xd4: {  	s10 =	sshll.u32 @!p2 s3, $0xB;
	s3 =	sadd.s32 @!p2 $0x1, s3;
	p4 =	por !p4, p2  }
0xd5: {  	s10 =	sshra.s32 @!p2 s10, $0x2;
	s3 =	smov.u32 @p2 s12;
	s6 =	simm.s32 @p4 $0x0  }
0xd6: {  	s11 =	sadd.s32 @!p2 $0x6608, s10;
	s12 =	sadd.s32 @!p2 $0x6688, s10;
	s15 =	smin.u32 @!p2 s6, $0xFE70  }
0xd7: {  	s16 =	sadd.s32 @!p2 $0x6708, s10;
	s10 =	sadd.s32 @!p2 $0x6788, s10;
	s6 =	sand.u32 @!p2 $0xFFF8, s15  }
0xd8: {  	s18 =	sadd.s32 @!p2 $0x80, s15;
	s8 =	sadd.s32 @!p2 $0x100, s15;
	s21 =	sadd.s32 @!p2 s1, s6  }
0xd9: {  	s6 =	sand.u32 @!p2 $0x7, s15;
	s18 =	sand.u32 @!p2 $0x1FFF8, s18;
	s8 =	sand.u32 @!p2 $0x1FFF8, s8  }
0xda: {  	[tilespmem:s11], [sflag:$0x2] =	stream.linear.gather @!p2 [hbm4b:s21+s6], $0x80, $0x38;
	[tilespmem:$0x1C938] =	vst v63  }
.Ltmp15:
0xdb: {  	s15 =	sadd.s32 @!p2 $0x180, s15;
	s11 =	sadd.s32 @!p2 s1, s18;
	(pc) =	sbr.rel @!p3 .LBB2_16-.Ltmp15, $4  }
0xdc: {  	[tilespmem:s12], [sflag:$0x2] =	stream.linear.gather @!p2 [hbm4b:s11+s6], $0x80, $0x38;
	[tilespmem:$0x1C938] =	vst v63  }
0xdd: {  	s8 =	sadd.s32 @!p2 s1, s8;
	s11 =	sand.u32 @!p2 $0x1FFF8, s15  }
0xde: {  	[tilespmem:s16], [sflag:$0x2] =	stream.linear.gather @!p2 [hbm4b:s8+s6], $0x80, $0x38;
	[tilespmem:$0x1C938] =	vst v63  }
0xdf: {  	s4 =	sadd.s32 $0x1, s4;
	s11 =	sadd.s32 @!p2 s1, s11  }
.LBB2_17:
0xe0: {  	[tilespmem:s10], [sflag:$0x2] =	stream.linear.gather @!p2 [hbm4b:s11+s6], $0x80, $0x38;
	[tilespmem:$0x1C938] =	vst v63  }
0xe1: {  	s2 =	sshll.u32 s3, $0x9  }
0xe2: {  	s21 =	simm.s32 $0x2;
	s2 =	sand.u32 $0x3FFFFE00, s2  }
.Ltmp16:
0xe3: {  	_ =	swait.ge [sflag:s21], s2;
	(pc) =	sbr.rel .LBB2_18-.Ltmp16, $4  }
0xe4: {  	s12 =	smov.u32 s9;
	s9 =	smov.u32 s14;
	s14 =	rddreg [dreg:$0x7]  }
0xe5: {  	s4 =	simm.s32 $0x0;
	s5 =	simm.s32 $0x0;
	s15 =	rddreg [dreg:$0x8]  }
0xe6: {  	s2 =	ssub.s32 $0x0, s2;
	[sflag:s21] =	ssyncset.done $0x0;
	s16 =	rddreg [dreg:$0x9]  }
0xe7: {  	v1 =	vmov s0;
	s18 =	rddreg [dreg:$0xa];
	[sflag:s21] =	ssyncadd.s32 s2;
	s21 =	simm.s32 $0xC  }
.LBB2_28:
0xe8: {  	[tilespmem:s2+$0x0] =	vst v2;
	s30 =	sadd.s32 $0x1, s30  }
.LBB2_29:
0xe9: {  	s5 =	sadd.s32 $0x1, s5  }
0xea: {  	p2 =	sne.s32 s5, s26  }
.Ltmp17:
0xeb: {  	_ = 	snop;
	(pc) =	sbr.rel @!p2 .LBB2_30-.Ltmp17, $2  }
0xec: {  	_ =	sdelay $0x2  }
0xed: {  	s29 =	sadd.s32 $0x200, s29;
	s31 =	smov.u32 s0  }
.LBB2_18:
0xee: {  	_ =	sdelay $0x3  }
0xef: {  	v2 =	vld.idx.msk [tilespmem:v1+s5+$0x0 ss:$0x1], $0x1;
	_ =	sdelay $0x4  }
0xf0: {  	(v2sf) =	vpush v2, $0x0;
	_ =	sdelay $0xe  }
0xf1: {  	s0 =	spop (v2sf)  }
0xf2: {  	p2 =	sne.s32 s31, s0  }
.Ltmp18:
0xf3: {  	_ = 	snop;
	(pc) =	sbr.rel @p2 .LBB2_22-.Ltmp18, $3  }
0xf4: {  	_ =	sdelay $0x1  }
0xf5: {  	s2 =	sshll.u32 s25, $0xB  }
0xf6: {  	s2 =	sshra.s32 s2, $0x2  }
0xf7: {  	s2 =	sadd.s32 $0x408, s2;
	s3 =	simm.s32 $0x0;
	v2 =	vld [tilespmem:s29+$0x0];
	s6 =	smov.u32 s29  }
.LBB2_20:
0xf8: {  	s3 =	sadd.s32 $0x10, s3  }
0xf9: {  	p2 =	slt.u32 s3, $0x1F0  }
.Ltmp19:
0xfa: {  	_ = 	snop;
	(pc) =	sbr.rel @p2 .LBB2_20-.Ltmp19, $3  }
0xfb: {  	_ =	sdelay $0x1  }
0xfc: {  	s6 =	sadd.s32 $0x10, s6;
	[tilespmem:s2+$0x0] =	vst.add.f32.msk $0xffff, v2;
	s2 =	sadd.s32 $0x10, s2  }
0xfd: {  	v2 =	vld [tilespmem:s6+$0x0]  }
.Ltmp20:
0xfe: {  	_ = 	snop;
	(pc) =	sbr.rel .LBB2_29-.Ltmp20, $2  }
0xff: {  	_ =	sdelay $0x2  }
0x100: {  	[tilespmem:s2+$0x0] =	vst.add.f32.msk $0xffff, v2  }
.LBB2_22:
0x101: {  	p2 =	seq.s32 s31, s28  }
.Ltmp21:
0x102: {  	_ = 	snop;
	(pc) =	sbr.rel @!p2 .LBB2_23-.Ltmp21, $1  }
0x103: {  	_ =	sdelay $0x3  }
.Ltmp22:
0x104: {  	s2 =	sadd.s32 $0x408, s2;
	(pc) =	sbr.rel .LBB2_26-.Ltmp22, $4  }
0x105: {  	[spmem:s17] =	stream.linear.scatter [tilespmem:s2], [sflag:$0x1], $0x200, $0x38;
	[tilespmem:$0x1C938] =	vst v63  }
0x106: {  	_ =	swait.ge [sflag:s13], $0x200  }
0x107: {  	[sflag:s13] =	ssyncset.done $0x0  }
0x108: {  	[sflag:s13] =	ssyncadd.s32 $0xFFFFFE00  }
.LBB2_23:
0x109: {  	s3 =	sshll.u32 s30, $0xB  }
0x10a: {  	s3 =	sshra.s32 s3, $0x2  }
0x10b: {  	s6 =	sadd.s32 $0x6608, s3;
	s3 =	sadd.s32 $0x408, s2  }
0x10c: {  	s11 =	simm.s32 $0x0;
	v2 =	vld [tilespmem:s6+$0x0];
	s10 =	smov.u32 s3  }
.LBB2_24:
0x10d: {  	s11 =	sadd.s32 $0x10, s11  }
0x10e: {  	p2 =	slt.u32 s11, $0x1F0  }
.Ltmp23:
0x10f: {  	_ = 	snop;
	(pc) =	sbr.rel @p2 .LBB2_24-.Ltmp23, $3  }
0x110: {  	_ =	sdelay $0x1  }
0x111: {  	s6 =	sadd.s32 $0x10, s6;
	[tilespmem:s10+$0x0] =	vst.add.f32.msk $0xffff, v2;
	s10 =	sadd.s32 $0x10, s10  }
0x112: {  	v2 =	vld [tilespmem:s6+$0x0]  }
0x113: {  	_ =	sdelay $0x1  }
0x114: {  	p2 =	sgt.u32 s31, $0xFE70  }
0x115: {  	s6 =	sand.u32 @!p2 $0xFFF8, s31  }
0x116: {  	s8 =	sand.u32 @!p2 $0x7, s31;
	s6 =	sadd.s32 @!p2 s1, s6;
	[tilespmem:s10+$0x0] =	vst.add.f32.msk $0xffff, v2  }
0x117: {  	[hbm4b:s6+s8] =	stream.linear.scatter @!p2 [tilespmem:s3], [sflag:$0xC], $0x80, $0x38;
	[tilespmem:$0x1C938] =	vst v63  }
0x118: {  	s3 =	sadd.s32 @!p2 $0x80, s31  }
0x119: {  	s3 =	sand.u32 @!p2 $0x1FFF8, s3  }
0x11a: {  	s6 =	sadd.s32 @!p2 $0x488, s2;
	s3 =	sadd.s32 @!p2 s1, s3  }
0x11b: {  	[hbm4b:s3+s8] =	stream.linear.scatter @!p2 [tilespmem:s6], [sflag:$0xC], $0x80, $0x38;
	[tilespmem:$0x1C938] =	vst v63  }
0x11c: {  	s3 =	sadd.s32 @!p2 $0x100, s31  }
0x11d: {  	s3 =	sand.u32 @!p2 $0x1FFF8, s3  }
0x11e: {  	s6 =	sadd.s32 @!p2 $0x508, s2;
	s3 =	sadd.s32 @!p2 s1, s3  }
0x11f: {  	[hbm4b:s3+s8] =	stream.linear.scatter @!p2 [tilespmem:s6], [sflag:$0xC], $0x80, $0x38;
	[tilespmem:$0x1C938] =	vst v63  }
0x120: {  	s3 =	sadd.s32 @!p2 $0x180, s31;
	s6 =	simm.s32 $0x0  }
0x121: {  	s3 =	sand.u32 @!p2 $0x1FFF8, s3;
	s6 =	simm.s32 @!p2 $0x800  }
0x122: {  	s2 =	sadd.s32 @!p2 $0x588, s2;
	s3 =	sadd.s32 @!p2 s1, s3;
	s4 =	sadd.s32 s6, s4  }
0x123: {  	[hbm4b:s3+s8] =	stream.linear.scatter @!p2 [tilespmem:s2], [sflag:$0xC], $0x80, $0x38;
	[tilespmem:$0x1C938] =	vst v63  }
.LBB2_26:
0x124: {  	s2 =	sadd.s32 $0x1, s25  }
0x125: {  	s3 =	smulhi.u32 $0xAAAAAAAB, s2;
	_ =	sdelay $0x1  }
0x126: {  	s3 =	sshrl.u32 s3, $0x5  }
0x127: {  	s3 =	smul.u32 $0x30, s3;
	_ =	sdelay $0x1  }
0x128: {  	s25 =	ssub.s32 s2, s3  }
0x129: {  	s2 =	sshll.u32 s25, $0x9  }
0x12a: {  	v2 =	vld [tilespmem:s29+$0x0];
	s6 =	smov.u32 s29;
	s3 =	simm.s32 $0x0;
	s2 =	sadd.s32 $0x408, s2  }
.LBB2_27:
0x12b: {  	s3 =	sadd.s32 $0x10, s3  }
0x12c: {  	p2 =	slt.u32 s3, $0x1F0  }
.Ltmp24:
0x12d: {  	_ = 	snop;
	(pc) =	sbr.rel @p2 .LBB2_27-.Ltmp24, $3  }
0x12e: {  	_ =	sdelay $0x1  }
0x12f: {  	[tilespmem:s2+$0x0] =	vst v2;
	s2 =	sadd.s32 $0x10, s2;
	s6 =	sadd.s32 $0x10, s6  }
0x130: {  	v2 =	vld [tilespmem:s6+$0x0]  }
.Ltmp25:
0x131: {  	_ = 	snop;
	(pc) =	sbr.rel .LBB2_28-.Ltmp25, $1  }
0x132: {  	_ =	sdelay $0x3  }
.LBB2_31:
.Ltmp26:
0x133: {  	(pc) =	sbr.rel .LBB2_32-.Ltmp26, $4  }
0x134: {  	_ = 	snop  }
0x135: {  	s0 =	simm.s32 $0x2  }
0x136: {  	_ =	swait.ge [sflag:s0], $0x0  }
0x137: {  	s2 =	simm.s32 $0x0;
	[sflag:s0] =	ssyncset.done $0x0;
	s0 =	smov.u32 s31  }
.LBB2_34:
0x138: {  	_ =	sfence.sel $0x180000  }
0x139: {  	s0 =	simm.s32 $0x9;
	[bflag:$0x0] =	sbarrier.arrive $0xFFFF  }
0x13a: {  	s24 =	simm.s32 $0xA;
	[sflag:s0] =	ssyncpa.u1 $0x1  }
0x13b: {  	s25 =	simm.s32 $0xB;
	[sflag:s24] =	ssyncpa.u1 $0x1  }
0x13c: {  	s26 =	simm.s32 $0x2;
	[sflag:s25] =	ssyncpa.u1 $0x1  }
0x13d: {  	[sflag:s26] =	ssyncpa.u1 $0x1  }
0x13e: {  	v0 =	vld [tilespmem:$0xC808];
	_ =	sdelay $0x4  }
0x13f: {  	(v2sf) =	vpush v0, $0x0  }
0x140: {  	(v2sf) =	vpush v0, $0x1;
	_ =	sdelay $0x2  }
0x141: {  	(v2sf) =	vpush v0, $0x2;
	_ =	sdelay $0xa  }
0x142: {  	s0 =	spop (v2sf)  }
0x143: {  	s2 =	spop (v2sf)  }
0x144: {  	s3 =	smov.u32 s0;
	p0 =	sne.s32 s0, s2  }
0x145: {  	s3 =	simm.s32 @!p0 $0xFFFFFFFF  }
0x146: {  	v2 =	vimm.s32 $0x1;
	v3 =	vlaneseq.u32;
	v1 =	vmov s3;
	s3 =	spop (v2sf)  }
0x147: {  	v0 =	vperm.xlane v0, v2;
	v1 =	vperm.xlane v1, v3;
	p0 =	seq.s32 s3, $0xFFFFFFFF  }
0x148: {  	vm0 =	vcmask $0x3F04;
	s5 =	simm.s32 $0xC808;
	p1 =	sne.s32 @!p0 s0, s2  }
0x149: {  	s6 =	rddreg [dreg:$0x6];
	s0 =	simm.s32 @!p0 $0x1;
	v0 =	vsel vm0, v1, v0;
	p1 =	por !p1, p0  }
0x14a: {  	s4 =	sor.u32 $0x4000, s6;
	s2 =	sshll.u32 @!p0 s3, $0xB;
	[tilespmem:$0xC808] =	vst v0;
	s0 =	simm.s32 @p1 $0x0  }
0x14b: {  	[spmem:s4] =	stream.linear.scatter [tilespmem:s5], [sflag:$0x1], $0x2, $0x38;
	[tilespmem:$0x1C938] =	vst v63  }
0x14c: {  	s2 =	sshra.s32 @!p0 s2, $0x2;
	s0 =	sor.u32 @!p0 s0, s6  }
0x14d: {  	s2 =	sadd.s32 @!p0 $0x408, s2;
	s0 =	sshll.u32 @!p0 s0, $0x9  }
0x14e: {  	[spmem:s0] =	stream.linear.scatter @!p0 [tilespmem:s2], [sflag:$0x1], $0x200, $0x38;
	[tilespmem:$0x1C938] =	vst v63  }
0x14f: {  	s0 =	simm.s32 @!p0 $0x202  }
0x150: {  	s28 =	simm.s32 $0x1;
	s0 =	simm.s32 @p0 $0x2  }
0x151: {  	_ =	swait.ge [sflag:s28], s0  }
0x152: {  	s17 =	stileid.u32;
	s0 =	ssub.s32 $0x0, s0;
	[sflag:s28] =	ssyncset.done $0x0  }
0x153: {  	p0 =	sne.s32 s17, $0x0;
	[sflag:s28] =	ssyncadd.s32 s0  }
.Ltmp27:
0x154: {  	_ =	sfence.stream.spmem;
	(pc) =	sbr.rel @p0 .LBB2_59-.Ltmp27, $4  }
0x155: {  	s29 =	simm.s32 $0x3;
	[bflag:$0x0] =	sbarrier.arrive $0xFFFF  }
0x156: {  	s30 =	simm.s32 $0x4;
	[sflag:s29] =	ssyncpa.u1 $0x1  }
0x157: {  	s31 =	simm.s32 $0x3C;
	[sflag:s30] =	ssyncpa.u1 $0x1  }
0x158: {  	s16 =	rddreg [dreg:$0x5];
	[sflag:s31] =	ssyncpa.u1 $0x1  }
0x159: {  	_ =	sfence.stream.spmem;
	s0 =	simm.s32 $0x5  }
0x15a: {  	s2 =	simm.s32 $0x4000;
	s3 =	simm.s32 $0xC818;
	[sflag:s0] =	ssyncpa.u1 $0x0  }
0x15b: {  	[tilespmem:s3], [sflag:$0x5] =	stream.linear.gather [spmem:s2], $0x20, $0x38;
	[tilespmem:$0x1C938] =	vst v63  }
0x15c: {  	s26 =	simm.s32 $0x0;
	s28 =	simm.s32 $0xC838  }
0x15d: {  	[tilespmem:s28], [sflag:$0x5] =	stream.linear.gather [spmem:s26], $0x4000, $0x38;
	[tilespmem:$0x1C938] =	vst v63  }
0x15e: {  	_ =	swait.ge [sflag:s0], $0x4020  }
0x15f: {  	[sflag:s0] =	ssyncset.done $0x0  }
0x160: {  	s29 =	simm.s32 $0x0;
	[sflag:s0] =	ssyncadd.s32 $0xFFFFBFE0  }
0x161: {  	v0 =	vld.msk [tilespmem:s29+$0xC818], $0x1;
	_ =	sdelay $0x1  }
0x162: {  	s30 =	simm.s32 $0x1  }
0x163: {  	v1 =	vld.msk [tilespmem:s30+$0xC818], $0x1;
	_ =	sdelay $0x1  }
0x164: {  	(v2sf) =	vpush v0, $0x0;
	_ =	sdelay $0x2  }
0x165: {  	(v2sf) =	vpush v1, $0x0;
	_ =	sdelay $0x2  }
0x166: {  	s31 =	simm.s32 $0x2  }
0x167: {  	v0 =	vld.msk [tilespmem:s31+$0xC818], $0x1;
	_ =	sdelay $0x2  }
0x168: {  	s2 =	simm.s32 $0xFFFFFFFF;
	s3 =	simm.s32 $0xFFFFFFFF;
	s0 =	simm.s32 $0xC  }
.LBB2_36:
0x169: {  	s4 =	smov.u32 s3;
	s5 =	smov.u32 s2  }
0x16a: {  	s2 =	sshra.s32 s0, $0x2;
	p1 =	sne.s32 s0, $0x7C;
	s0 =	sadd.s32 $0x4, s0;
	(v2sf) =	vpush v0, $0x0  }
0x16b: {  	v0 =	vld.msk [tilespmem:s2+$0xC818], $0x1  }
.Ltmp28:
0x16c: {  	(pc) =	sbr.rel @p1 .LBB2_36-.Ltmp28, $4  }
0x16d: {  	s3 =	spop (v2sf)  }
0x16e: {  	p2 =	sne.s32 s5, $0xFFFFFFFF;
	s2 =	smov.u32 s3  }
0x16f: {  	p3 =	seq.s32 s3, $0xFFFFFFFF;
	s2 =	smov.u32 @p2 s5  }
0x170: {  	s3 =	smov.u32 @p3 s4;
	s2 =	smov.u32 @p3 s5  }
0x171: {  	(v2sf) =	vpush v0, $0x0;
	_ =	sdelay $0x8  }
0x172: {  	s0 =	spop (v2sf);
	p1 =	sne.s32 s2, $0xFFFFFFFF;
	s9 =	simm.s32 $0x6  }
0x173: {  	s6 =	simm.s32 $0x0;
	s10 =	simm.s32 $0xC838;
	s4 =	smov.u32 s0  }
0x174: {  	s11 =	simm.s32 $0xC688;
	p2 =	seq.s32 s0, $0xFFFFFFFF;
	s4 =	smov.u32 @p1 s2  }
0x175: {  	s12 =	simm.s32 $0xC708;
	s4 =	smov.u32 @p2 s2;
	s2 =	spop (v2sf)  }
0x176: {  	s0 =	smov.u32 @p2 s3;
	p1 =	sne.s32 s4, $0xFFFFFFFF;
	s5 =	smov.u32 s2  }
.Ltmp29:
0x177: {  	p2 =	seq.s32 s2, $0xFFFFFFFF;
	s5 =	smov.u32 @p1 s4;
	(pc) =	sbr.rel .LBB2_38-.Ltmp29, $4  }
0x178: {  	s13 =	simm.s32 $0xC788;
	s5 =	smov.u32 @p2 s4;
	s7 =	spop (v2sf)  }
0x179: {  	s14 =	simm.s32 $0x0;
	p1 =	sne.s32 s5, $0xFFFFFFFF;
	s8 =	smov.u32 s7  }
0x17a: {  	s2 =	smov.u32 @p2 s0;
	p2 =	seq.s32 s7, $0xFFFFFFFF;
	s8 =	smov.u32 @p1 s5  }
0x17b: {  	[sflag:s9] =	ssyncpa.u1 $0x0;
	s7 =	smov.u32 @p2 s2;
	s8 =	smov.u32 @p2 s5  }
.LBB2_53:
0x17c: {  	s14 =	sadd.s32 $0x1, s14  }
0x17d: {  	p1 =	sne.s32 s14, $0x20  }
.Ltmp30:
0x17e: {  	_ = 	snop;
	(pc) =	sbr.rel @!p1 .LBB2_54-.Ltmp30, $2  }
0x17f: {  	_ =	sdelay $0x2  }
0x180: {  	s10 =	sadd.s32 $0x200, s10  }
.LBB2_38:
0x181: {  	v0 =	vld.msk [tilespmem:s14+$0xC818], $0x1;
	_ =	sdelay $0x4  }
0x182: {  	(v2sf) =	vpush v0, $0x0;
	_ =	sdelay $0xe  }
0x183: {  	s0 =	spop (v2sf)  }
0x184: {  	p1 =	seq.s32 s0, $0xFFFFFFFF  }
.Ltmp31:
0x185: {  	_ = 	snop;
	(pc) =	sbr.rel @p1 .LBB2_53-.Ltmp31, $1  }
0x186: {  	_ =	sdelay $0x3  }
0x187: {  	p1 =	slt.s32 s6, $0x1  }
.Ltmp32:
0x188: {  	_ = 	snop;
	(pc) =	sbr.rel @p1 .LBB2_46-.Ltmp32, $1  }
0x189: {  	_ =	sdelay $0x3  }
0x18a: {  	s2 =	simm.s32 $0xC818;
	p1 =	por $0x0, $0x0  }
0x18b: {  	v1 =	vld.msk @!p1 [tilespmem:s2+$0x0], $0x1;
	_ =	sdelay $0x4  }
0x18c: {  	(v2sf) =	vpush @!p1 v1, $0x0;
	_ =	sdelay $0xd  }
0x18d: {  	p3 =	sne.s32 s6, $0x1  }
.Ltmp33:
0x18e: {  	s3 =	spop @!p1 (v2sf);
	(pc) =	sbr.rel @!p3 .LBB2_42-.Ltmp33, $4  }
0x18f: {  	p2 =	seq.s32 @!p1 s0, s3  }
0x190: {  	s3 =	simm.s32 $0x0;
	p2 =	por !p2, p1  }
0x191: {  	s5 =	simm.s32 $0xFFFFFFFF;
	s3 =	simm.s32 @p2 $0xFFFFFFFF  }
0x192: {  	s4 =	simm.s32 $0x1;
	s3 =	smov.u32 @p1 s5  }
.LBB2_41:
0x193: {  	s5 =	smov.u32 s3;
	p1 =	sne.s32 s3, $0xFFFFFFFF  }
0x194: {  	s2 =	sadd.s32 $0x1, s2;
	s3 =	smov.u32 s4;
	s4 =	sadd.s32 $0x1, s4  }
0x195: {  	p2 =	sne.s32 s6, s4;
	v1 =	vld.msk @!p1 [tilespmem:s2+$0x0], $0x1;
	_ =	sdelay $0x4  }
0x196: {  	(v2sf) =	vpush @!p1 v1, $0x0;
	_ =	sdelay $0xe  }
.Ltmp34:
0x197: {  	s15 =	spop @!p1 (v2sf);
	(pc) =	sbr.rel @p2 .LBB2_41-.Ltmp34, $4  }
0x198: {  	p3 =	seq.s32 @!p1 s0, s15  }
0x199: {  	p3 =	por !p3, p1  }
0x19a: {  	s3 =	simm.s32 @p3 $0xFFFFFFFF  }
0x19b: {  	s3 =	smov.u32 @p1 s5  }
.LBB2_42:
0x19c: {  	p1 =	seq.s32 s3, $0xFFFFFFFF  }
.Ltmp35:
0x19d: {  	_ = 	snop;
	(pc) =	sbr.rel @p1 .LBB2_46-.Ltmp35, $1  }
0x19e: {  	_ =	sdelay $0x3  }
0x19f: {  	s0 =	sshll.u32 s3, $0xB  }
0x1a0: {  	s0 =	sshra.s32 s0, $0x2  }
0x1a1: {  	s2 =	simm.s32 $0x0;
	v0 =	vld [tilespmem:s10+$0x0];
	s3 =	smov.u32 s10;
	s0 =	sadd.s32 $0xC838, s0  }
.LBB2_44:
0x1a2: {  	s2 =	sadd.s32 $0x10, s2  }
0x1a3: {  	p1 =	slt.u32 s2, $0x1F0  }
.Ltmp36:
0x1a4: {  	_ = 	snop;
	(pc) =	sbr.rel @p1 .LBB2_44-.Ltmp36, $3  }
0x1a5: {  	_ =	sdelay $0x1  }
0x1a6: {  	s3 =	sadd.s32 $0x10, s3;
	[tilespmem:s0+$0x0] =	vst.add.f32.msk $0xffff, v0;
	s0 =	sadd.s32 $0x10, s0  }
0x1a7: {  	v0 =	vld [tilespmem:s3+$0x0]  }
.Ltmp37:
0x1a8: {  	_ = 	snop;
	(pc) =	sbr.rel .LBB2_53-.Ltmp37, $2  }
0x1a9: {  	_ =	sdelay $0x2  }
0x1aa: {  	[tilespmem:s0+$0x0] =	vst.add.f32.msk $0xffff, v0  }
.LBB2_46:
0x1ab: {  	p1 =	sgt.u32 s0, $0xFE70  }
0x1ac: {  	p2 =	seq.s32 @!p1 s0, s8  }
0x1ad: {  	p1 =	por p1, p2  }
0x1ae: {  	p2 =	seq.s32 @!p1 s0, s7  }
0x1af: {  	p1 =	por p1, p2  }
.Ltmp38:
0x1b0: {  	_ = 	snop;
	(pc) =	sbr.rel @p1 .LBB2_50-.Ltmp38, $1  }
0x1b1: {  	_ =	sdelay $0x3  }
0x1b2: {  	s2 =	sand.u32 $0xFFF8, s0;
	s4 =	sand.u32 $0x7, s0  }
0x1b3: {  	s29 =	sadd.s32 $0x80, s0;
	s3 =	sadd.s32 s1, s2;
	s2 =	simm.s32 $0xC608  }
0x1b4: {  	[tilespmem:s2], [sflag:$0x6] =	stream.linear.gather [hbm4b:s3+s4], $0x80, $0x38;
	[tilespmem:$0x1C938] =	vst v63  }
0x1b5: {  	s3 =	sand.u32 $0x1FFF8, s29  }
0x1b6: {  	s30 =	sadd.s32 $0x100, s0;
	s3 =	sadd.s32 s1, s3  }
0x1b7: {  	[tilespmem:s11], [sflag:$0x6] =	stream.linear.gather [hbm4b:s3+s4], $0x80, $0x38;
	[tilespmem:$0x1C938] =	vst v63  }
0x1b8: {  	s31 =	sadd.s32 $0x180, s0;
	s3 =	sand.u32 $0x1FFF8, s30  }
0x1b9: {  	s0 =	sand.u32 $0x1FFF8, s31;
	s3 =	sadd.s32 s1, s3  }
0x1ba: {  	[tilespmem:s12], [sflag:$0x6] =	stream.linear.gather [hbm4b:s3+s4], $0x80, $0x38;
	[tilespmem:$0x1C938] =	vst v63  }
0x1bb: {  	s0 =	sadd.s32 s1, s0  }
0x1bc: {  	[tilespmem:s13], [sflag:$0x6] =	stream.linear.gather [hbm4b:s0+s4], $0x80, $0x38;
	[tilespmem:$0x1C938] =	vst v63  }
0x1bd: {  	_ =	swait.ge [sflag:s9], $0x200  }
0x1be: {  	[sflag:s9] =	ssyncset.done $0x0  }
0x1bf: {  	[sflag:s9] =	ssyncadd.s32 $0xFFFFFE00  }
0x1c0: {  	s3 =	smov.u32 s10;
	s0 =	simm.s32 $0x0;
	v1 =	vld [tilespmem:s2+$0x0]  }
.LBB2_48:
0x1c1: {  	s0 =	sadd.s32 $0x10, s0  }
0x1c2: {  	p1 =	slt.u32 s0, $0x1F0  }
.Ltmp39:
0x1c3: {  	_ = 	snop;
	(pc) =	sbr.rel @p1 .LBB2_48-.Ltmp39, $3  }
0x1c4: {  	_ =	sdelay $0x1  }
0x1c5: {  	s2 =	sadd.s32 $0x10, s2;
	[tilespmem:s3+$0x0] =	vst.add.f32.msk $0xffff, v1;
	s3 =	sadd.s32 $0x10, s3  }
0x1c6: {  	v1 =	vld [tilespmem:s2+$0x0]  }
0x1c7: {  	_ =	sdelay $0x3  }
0x1c8: {  	[tilespmem:s3+$0x0] =	vst.add.f32.msk $0xffff, v1  }
.LBB2_50:
0x1c9: {  	s0 =	sshll.u32 s6, $0xB  }
0x1ca: {  	[tilespmem:s6+$0xC818] =	vst.msk $0x1, v0;
	s0 =	sshra.s32 s0, $0x2  }
0x1cb: {  	s2 =	simm.s32 $0x0;
	s3 =	smov.u32 s10;
	v0 =	vld [tilespmem:s10+$0x0];
	s0 =	sadd.s32 $0xC838, s0  }
.LBB2_51:
0x1cc: {  	s2 =	sadd.s32 $0x10, s2  }
0x1cd: {  	p1 =	slt.u32 s2, $0x1F0  }
.Ltmp40:
0x1ce: {  	_ = 	snop;
	(pc) =	sbr.rel @p1 .LBB2_51-.Ltmp40, $3  }
0x1cf: {  	_ =	sdelay $0x1  }
0x1d0: {  	s3 =	sadd.s32 $0x10, s3;
	[tilespmem:s0+$0x0] =	vst v0;
	s0 =	sadd.s32 $0x10, s0  }
0x1d1: {  	v0 =	vld [tilespmem:s3+$0x0]  }
.Ltmp41:
0x1d2: {  	_ = 	snop;
	(pc) =	sbr.rel .LBB2_53-.Ltmp41, $2  }
0x1d3: {  	_ =	sdelay $0x2  }
0x1d4: {  	s6 =	sadd.s32 $0x1, s6;
	[tilespmem:s0+$0x0] =	vst v0  }
.LBB2_54:
0x1d5: {  	s0 =	simm.s32 $0x6;
	p1 =	seq.s32 s6, $0x0  }
0x1d6: {  	[sflag:s0] =	ssyncpa.u1 $0x1;
	v0 =	vimm.s32 @p1 $0xFFFFFFFF  }
0x1d7: {  	s0 =	sadd.s32 $0xFFFFFFFF, s6;
	[tilespmem:$0x10838] =	vst @p1 v0  }
0x1d8: {  	v0 =	vld.msk @!p1 [tilespmem:s0+$0xC818], $0x1;
	_ =	sdelay $0x1  }
0x1d9: {  	v1 =	vld.msk @!p1 [tilespmem:$0xC818], $0x1;
	_ =	sdelay $0x2  }
0x1da: {  	p2 =	seq.s32 @!p1 s0, $0x0;
	v0 =	vbroadcast @!p1 v0, $0x0  }
0x1db: {  	vm0 =	vmmov @!p1 $0x1;
	p2 =	por !p2, p1  }
0x1dc: {  	v1 =	vnsel @!p1 vm0, $0xFFFFFFFF, v1;
	vm0 =	vcmask @!p1 $0x308;
	v0 =	vpsel !p2, $0xFFFFFFFF, v0  }
0x1dd: {  	p2 =	sne.s32 @!p1 s8, s7;
	v0 =	vsel @!p1 vm0, v1, v0  }
0x1de: {  	s2 =	simm.s32 @!p1 $0xC838;
	s3 =	simm.s32 @!p1 $0x0;
	p3 =	por !p2, p1;
	[tilespmem:$0x10838] =	vst @!p1 v0  }
0x1df: {  	[spmem:s3] =	stream.linear.scatter @!p1 [tilespmem:s2], [sflag:$0x1], $0x200, $0x38;
	[tilespmem:$0x1C938] =	vst v63  }
0x1e0: {  	s2 =	sshll.u32 @!p3 s0, $0xB  }
0x1e1: {  	s2 =	sshra.s32 @!p3 s2, $0x2  }
0x1e2: {  	s3 =	simm.s32 @!p3 $0x200;
	s2 =	sadd.s32 @!p3 $0xC838, s2  }
0x1e3: {  	[spmem:s3] =	stream.linear.scatter @!p3 [tilespmem:s2], [sflag:$0x1], $0x200, $0x38;
	[tilespmem:$0x1C938] =	vst v63  }
0x1e4: {  	s2 =	simm.s32 @!p3 $0x1  }
0x1e5: {  	_ =	swait.ge @!p3 [sflag:s2], $0x400  }
0x1e6: {  	p1 =	por p2, p1;
	[sflag:s2] =	ssyncset.done @!p3 $0x0  }
0x1e7: {  	[sflag:s2] =	ssyncadd.s32 @!p3 $0xFFFFFC00;
	s2 =	simm.s32 @!p1 $0x1  }
0x1e8: {  	_ =	swait.ge @!p1 [sflag:s2], $0x200  }
0x1e9: {  	s29 =	simm.s32 $0x10838;
	[sflag:s2] =	ssyncset.done @!p1 $0x0  }
0x1ea: {  	s30 =	simm.s32 $0x4000;
	s31 =	simm.s32 $0x1;
	[sflag:s2] =	ssyncadd.s32 @!p1 $0xFFFFFE00  }
0x1eb: {  	[spmem:s30] =	stream.linear.scatter [tilespmem:s29], [sflag:$0x1], $0x10, $0x38;
	[tilespmem:$0x1C938] =	vst v63  }
0x1ec: {  	_ =	swait.ge [sflag:s31], $0x10  }
0x1ed: {  	[sflag:s31] =	ssyncset.done $0x0  }
0x1ee: {  	p1 =	seq.s32 s16, $0x0;
	s9 =	rddreg [dreg:$0x2];
	[sflag:s31] =	ssyncadd.s32 $0xFFFFFFF0  }
0x1ef: {  	s3 =	sshll.u32 @p1 s9, $0xE;
	s8 =	rddreg [dreg:$0x3]  }
0x1f0: {  	s2 =	sadd.s32 @p1 $0x15C3C, s3;
	s3 =	sshll.u32 @p1 s8, $0x11  }
0x1f1: {  	_ =	sfence.stream.spmem;
	s2 =	sor.u32 @p1 s3, s2  }
0x1f2: {  	[sflag:s2] =	ssyncadd.remote.s32 @p1 $0x1;
	s2 =	simm.s32 @p1 $0x4  }
0x1f3: {  	s4 =	simm.s32 @!p1 $0x3C;
	s3 =	sand.u32 $0xFFFFFFFE, s9;
	_ =	swait.ge @p1 [sflag:s2], $0x82  }
0x1f4: {  	s5 =	simm.s32 @!p1 $0x0;
	s3 =	sadd.s32 @!p1 $0x4, s3;
	[sflag:s2] =	ssyncset.done @p1 $0x0  }
0x1f5: {  	s7 =	simm.s32 @!p1 $0x400;
	[sflag:s2] =	ssyncadd.s32 @p1 $0xFFFFFF7E;
	s2 =	sshll.u32 @!p1 s3, $0x1A  }
0x1f6: {  	s3 =	sshll.u32 @!p1 s3, $0xD;
	s2 =	sor.u32 @!p1 s2, s8;
	_ =	swait.eq @!p1 [sflag:s4], $0x1  }
0x1f7: {  	s3 =	sor.u32 @!p1 $0x1C04, s3;
	s4 =	simm.s32 @!p1 $0x1C03;
	s2 =	sor.u32 @!p1 $0x80004000, s2  }
0x1f8: {  	[spmem:s7], [sflag:s3] =	dma.general @!p1 [spmem:s5], [sflag:s4], length:$0x80, [dreg:$0x0], stride_count:$0x0, ici_dest:s2, dma_misc:DstOpCode:WRITE  }
0x1f9: {  	p2 =	slt.s32 s0, $0x2;
	s5 =	simm.s32 @!p1 $0x800;
	s7 =	simm.s32 @!p1 $0x802  }
0x1fa: {  	[spmem:s7], [sflag:s3] =	dma.general @!p1 [spmem:s5], [sflag:s4], length:$0x2, [dreg:$0x0], stride_count:$0x0, ici_dest:s2, dma_misc:DstOpCode:WRITE  }
.Ltmp42:
0x1fb: {  	s2 =	simm.s32 @!p1 $0x3;
	(pc) =	sbr.rel @p2 .LBB2_58-.Ltmp42, $4  }
0x1fc: {  	s3 =	sshll.u32 @!p1 s9, $0xE;
	_ =	swait.ge @!p1 [sflag:s2], $0x82  }
0x1fd: {  	s4 =	sshll.u32 @!p1 s8, $0x11;
	s3 =	sadd.s32 @!p1 $0x11C3C, s3;
	[sflag:s2] =	ssyncset.done @!p1 $0x0  }
0x1fe: {  	[sflag:s2] =	ssyncadd.s32 @!p1 $0xFFFFFF7E;
	s2 =	sor.u32 @!p1 s4, s3  }
0x1ff: {  	s0 =	simm.s32 $0x0;
	[sflag:s2] =	ssyncadd.remote.s32 @!p1 $0xFFFFFFFF  }
0x200: {  	s0 =	simm.s32 $0xC819  }
0x201: {  	v0 =	vld.msk [tilespmem:s0+$0x0], $0x1;
	_ =	sdelay $0x4  }
0x202: {  	(v2sf) =	vpush v0, $0x0;
	_ =	sdelay $0xe  }
0x203: {  	s2 =	sadd.s32 $0xFFFFFFFE, s6;
	s6 =	spop (v2sf)  }
0x204: {  	s0 =	simm.s32 $0x0;
	s4 =	sadd.s32 $0xFFFFFFFF, s2;
	p1 =	sgt.u32 s6, $0xFE70  }
0x205: {  	s2 =	simm.s32 $0xCA38;
	p2 =	sne.s32 s4, $0x0;
	s3 =	sand.u32 @!p1 $0xFFF8, s6  }
0x206: {  	s5 =	sadd.s32 @!p1 $0x80, s6;
	s7 =	sadd.s32 @!p1 $0x100, s6;
	s8 =	sadd.s32 @!p1 s1, s3  }
0x207: {  	s3 =	sand.u32 @!p1 $0x7, s6;
	s5 =	sand.u32 @!p1 $0x1FFF8, s5;
	s7 =	sand.u32 @!p1 $0x1FFF8, s7  }
0x208: {  	[hbm4b:s8+s3] =	stream.linear.scatter @!p1 [tilespmem:s2], [sflag:$0x5], $0x80, $0x38;
	[tilespmem:$0x1C938] =	vst v63  }
0x209: {  	s2 =	simm.s32 @!p1 $0xCAB8;
	s5 =	sadd.s32 @!p1 s1, s5;
	s7 =	sadd.s32 @!p1 s1, s7  }
.Ltmp43:
0x20a: {  	s8 =	sadd.s32 @!p1 $0x180, s6;
	s6 =	simm.s32 $0x0;
	(pc) =	sbr.rel @!p2 .LBB2_57-.Ltmp43, $4  }
0x20b: {  	[hbm4b:s5+s3] =	stream.linear.scatter @!p1 [tilespmem:s2], [sflag:$0x5], $0x80, $0x38;
	[tilespmem:$0x1C938] =	vst v63  }
0x20c: {  	s6 =	simm.s32 @!p1 $0x800;
	s8 =	sand.u32 @!p1 $0x1FFF8, s8;
	s5 =	simm.s32 @!p1 $0xCB38  }
0x20d: {  	[hbm4b:s7+s3] =	stream.linear.scatter @!p1 [tilespmem:s5], [sflag:$0x5], $0x80, $0x38;
	[tilespmem:$0x1C938] =	vst v63  }
0x20e: {  	s2 =	simm.s32 $0xC81A;
	s5 =	simm.s32 $0xCC38;
	s7 =	simm.s32 @!p1 $0xCBB8  }
.LBB2_56:
0x20f: {  	s4 =	sadd.s32 $0xFFFFFFFF, s4;
	s8 =	sadd.s32 @!p1 s1, s8;
	s0 =	sadd.s32 s0, s6  }
0x210: {  	[hbm4b:s8+s3] =	stream.linear.scatter @!p1 [tilespmem:s7], [sflag:$0x5], $0x80, $0x38;
	[tilespmem:$0x1C938] =	vst v63  }
0x211: {  	p2 =	sne.s32 s4, $0x0;
	s7 =	smov.u32 s5;
	v0 =	vld.msk [tilespmem:s2+$0x0], $0x1;
	_ =	sdelay $0x4  }
0x212: {  	(v2sf) =	vpush v0, $0x0;
	_ =	sdelay $0xe  }
0x213: {  	s6 =	spop (v2sf)  }
0x214: {  	s5 =	sadd.s32 $0x200, s5;
	s2 =	sadd.s32 $0x1, s2;
	p1 =	sgt.u32 s6, $0xFE70  }
0x215: {  	s3 =	sand.u32 @!p1 $0xFFF8, s6;
	s8 =	sadd.s32 @!p1 $0x80, s6;
	s9 =	sadd.s32 @!p1 $0x100, s6  }
0x216: {  	s10 =	sadd.s32 @!p1 s1, s3;
	s3 =	sand.u32 @!p1 $0x7, s6;
	s8 =	sand.u32 @!p1 $0x1FFF8, s8  }
0x217: {  	[hbm4b:s10+s3] =	stream.linear.scatter @!p1 [tilespmem:s7], [sflag:$0x5], $0x80, $0x38;
	[tilespmem:$0x1C938] =	vst v63  }
0x218: {  	s9 =	sand.u32 @!p1 $0x1FFF8, s9;
	s10 =	sadd.s32 @!p1 $0x80, s7  }
.Ltmp44:
0x219: {  	s8 =	sadd.s32 @!p1 s1, s8;
	s9 =	sadd.s32 @!p1 s1, s9;
	(pc) =	sbr.rel @p2 .LBB2_56-.Ltmp44, $4  }
0x21a: {  	[hbm4b:s8+s3] =	stream.linear.scatter @!p1 [tilespmem:s10], [sflag:$0x5], $0x80, $0x38;
	[tilespmem:$0x1C938] =	vst v63  }
0x21b: {  	s8 =	sadd.s32 @!p1 $0x100, s7;
	s10 =	sadd.s32 @!p1 $0x180, s6;
	s6 =	simm.s32 $0x0  }
0x21c: {  	[hbm4b:s9+s3] =	stream.linear.scatter @!p1 [tilespmem:s8], [sflag:$0x5], $0x80, $0x38;
	[tilespmem:$0x1C938] =	vst v63  }
0x21d: {  	s7 =	sadd.s32 @!p1 $0x180, s7;
	s6 =	simm.s32 @!p1 $0x800;
	s8 =	sand.u32 @!p1 $0x1FFF8, s10  }
.LBB2_57:
0x21e: {  	s2 =	sadd.s32 @!p1 s1, s8;
	s0 =	sadd.s32 s0, s6  }
0x21f: {  	[hbm4b:s2+s3] =	stream.linear.scatter @!p1 [tilespmem:s7], [sflag:$0x5], $0x80, $0x38;
	[tilespmem:$0x1C938] =	vst v63  }
0x220: {  	s0 =	sshrl.u32 s0, $0x2  }
.LBB2_58:
0x221: {  	s2 =	simm.s32 $0x5  }
0x222: {  	_ =	swait.ge [sflag:s2], s0  }
0x223: {  	s31 =	ssub.s32 $0x0, s0;
	[sflag:s2] =	ssyncset.done $0x0  }
0x224: {  	[sflag:s2] =	ssyncadd.s32 s31  }
0x225: {  	[sflag:s2] =	ssyncpa.u1 $0x1  }
.LBB2_59:
0x226: {  	s0 =	sor.u32 s16, s17  }
0x227: {  	p1 =	sne.s32 s0, $0x0  }
.Ltmp45:
0x228: {  	_ = 	snop;
	(pc) =	sbr.rel @p1 .LBB2_82-.Ltmp45, $3  }
0x229: {  	_ =	sdelay $0x1  }
0x22a: {  	[bflag:$0x0] =	sbarrier.arrive $0xFFFF  }
0x22b: {  	_ =	sfence  }
0x22c: {  	s0 =	simm.s32 $0x7  }
0x22d: {  	s2 =	simm.s32 $0x4000;
	s3 =	simm.s32 $0xC818;
	[sflag:s0] =	ssyncpa.u1 $0x0  }
0x22e: {  	[tilespmem:s3], [sflag:$0x7] =	stream.linear.gather [spmem:s2], $0x20, $0x38;
	[tilespmem:$0x1C938] =	vst v63  }
0x22f: {  	s2 =	simm.s32 $0x0;
	s3 =	simm.s32 $0xC838  }
0x230: {  	[tilespmem:s3], [sflag:$0x7] =	stream.linear.gather [spmem:s2], $0x4000, $0x38;
	[tilespmem:$0x1C938] =	vst v63  }
.Ltmp46:
0x231: {  	_ = 	snop;
	(pc) =	sbr.rel .LBB2_61-.Ltmp46, $4  }
0x232: {  	_ =	swait.ge [sflag:s0], $0x4020  }
0x233: {  	s4 =	simm.s32 $0x8;
	[sflag:s0] =	ssyncset.done $0x0  }
0x234: {  	s5 =	simm.s32 $0xC688;
	s6 =	simm.s32 $0xC708;
	[sflag:s0] =	ssyncadd.s32 $0xFFFFBFE0  }
0x235: {  	s7 =	simm.s32 $0xC788;
	s8 =	simm.s32 $0x0;
	[sflag:s4] =	ssyncpa.u1 $0x0  }
.LBB2_76:
0x236: {  	s8 =	sadd.s32 $0x1, s8  }
0x237: {  	p1 =	sne.s32 s8, $0x20  }
.Ltmp47:
0x238: {  	_ = 	snop;
	(pc) =	sbr.rel @!p1 .LBB2_77-.Ltmp47, $2  }
0x239: {  	_ =	sdelay $0x2  }
0x23a: {  	s3 =	sadd.s32 $0x200, s3  }
.LBB2_61:
0x23b: {  	v0 =	vld.msk [tilespmem:s8+$0xC818], $0x1;
	_ =	sdelay $0x4  }
0x23c: {  	(v2sf) =	vpush v0, $0x0;
	_ =	sdelay $0xe  }
0x23d: {  	s0 =	spop (v2sf)  }
0x23e: {  	p1 =	seq.s32 s0, $0xFFFFFFFF  }
.Ltmp48:
0x23f: {  	_ = 	snop;
	(pc) =	sbr.rel @p1 .LBB2_76-.Ltmp48, $1  }
0x240: {  	_ =	sdelay $0x3  }
0x241: {  	p1 =	slt.s32 s2, $0x1  }
.Ltmp49:
0x242: {  	_ = 	snop;
	(pc) =	sbr.rel @p1 .LBB2_69-.Ltmp49, $1  }
0x243: {  	_ =	sdelay $0x3  }
0x244: {  	s9 =	simm.s32 $0xC818;
	p1 =	por $0x0, $0x0  }
0x245: {  	v1 =	vld.msk @!p1 [tilespmem:s9+$0x0], $0x1;
	_ =	sdelay $0x4  }
0x246: {  	(v2sf) =	vpush @!p1 v1, $0x0;
	_ =	sdelay $0xd  }
0x247: {  	p3 =	sne.s32 s2, $0x1  }
.Ltmp50:
0x248: {  	s10 =	spop @!p1 (v2sf);
	(pc) =	sbr.rel @!p3 .LBB2_65-.Ltmp50, $4  }
0x249: {  	p2 =	seq.s32 @!p1 s0, s10  }
0x24a: {  	s10 =	simm.s32 $0x0;
	p2 =	por !p2, p1  }
0x24b: {  	s12 =	simm.s32 $0xFFFFFFFF;
	s10 =	simm.s32 @p2 $0xFFFFFFFF  }
0x24c: {  	s11 =	simm.s32 $0x1;
	s10 =	smov.u32 @p1 s12  }
.LBB2_64:
0x24d: {  	s12 =	smov.u32 s10;
	p1 =	sne.s32 s10, $0xFFFFFFFF  }
0x24e: {  	s9 =	sadd.s32 $0x1, s9;
	s10 =	smov.u32 s11;
	s11 =	sadd.s32 $0x1, s11  }
0x24f: {  	p2 =	sne.s32 s2, s11;
	v1 =	vld.msk @!p1 [tilespmem:s9+$0x0], $0x1;
	_ =	sdelay $0x4  }
0x250: {  	(v2sf) =	vpush @!p1 v1, $0x0;
	_ =	sdelay $0xe  }
.Ltmp51:
0x251: {  	s13 =	spop @!p1 (v2sf);
	(pc) =	sbr.rel @p2 .LBB2_64-.Ltmp51, $4  }
0x252: {  	p3 =	seq.s32 @!p1 s0, s13  }
0x253: {  	p3 =	por !p3, p1  }
0x254: {  	s10 =	simm.s32 @p3 $0xFFFFFFFF  }
0x255: {  	s10 =	smov.u32 @p1 s12  }
.LBB2_65:
0x256: {  	p1 =	seq.s32 s10, $0xFFFFFFFF  }
.Ltmp52:
0x257: {  	_ = 	snop;
	(pc) =	sbr.rel @p1 .LBB2_69-.Ltmp52, $1  }
0x258: {  	_ =	sdelay $0x3  }
0x259: {  	s0 =	sshll.u32 s10, $0xB  }
0x25a: {  	s0 =	sshra.s32 s0, $0x2  }
0x25b: {  	s9 =	simm.s32 $0x0;
	v0 =	vld [tilespmem:s3+$0x0];
	s10 =	smov.u32 s3;
	s0 =	sadd.s32 $0xC838, s0  }
.LBB2_67:
0x25c: {  	s9 =	sadd.s32 $0x10, s9  }
0x25d: {  	p1 =	slt.u32 s9, $0x1F0  }
.Ltmp53:
0x25e: {  	_ = 	snop;
	(pc) =	sbr.rel @p1 .LBB2_67-.Ltmp53, $3  }
0x25f: {  	_ =	sdelay $0x1  }
0x260: {  	s10 =	sadd.s32 $0x10, s10;
	[tilespmem:s0+$0x0] =	vst.add.f32.msk $0xffff, v0;
	s0 =	sadd.s32 $0x10, s0  }
0x261: {  	v0 =	vld [tilespmem:s10+$0x0]  }
.Ltmp54:
0x262: {  	_ = 	snop;
	(pc) =	sbr.rel .LBB2_76-.Ltmp54, $2  }
0x263: {  	_ =	sdelay $0x2  }
0x264: {  	[tilespmem:s0+$0x0] =	vst.add.f32.msk $0xffff, v0  }
.LBB2_69:
0x265: {  	p1 =	sgt.u32 s0, $0xFE70  }
.Ltmp55:
0x266: {  	_ = 	snop;
	(pc) =	sbr.rel @p1 .LBB2_73-.Ltmp55, $1  }
0x267: {  	_ =	sdelay $0x3  }
0x268: {  	s9 =	sand.u32 $0xFFF8, s0;
	s11 =	sand.u32 $0x7, s0  }
0x269: {  	s29 =	sadd.s32 $0x80, s0;
	s10 =	sadd.s32 s1, s9;
	s9 =	simm.s32 $0xC608  }
0x26a: {  	[tilespmem:s9], [sflag:$0x8] =	stream.linear.gather [hbm4b:s10+s11], $0x80, $0x38;
	[tilespmem:$0x1C938] =	vst v63  }
0x26b: {  	s10 =	sand.u32 $0x1FFF8, s29  }
0x26c: {  	s30 =	sadd.s32 $0x100, s0;
	s10 =	sadd.s32 s1, s10  }
0x26d: {  	[tilespmem:s5], [sflag:$0x8] =	stream.linear.gather [hbm4b:s10+s11], $0x80, $0x38;
	[tilespmem:$0x1C938] =	vst v63  }
0x26e: {  	s31 =	sadd.s32 $0x180, s0;
	s10 =	sand.u32 $0x1FFF8, s30  }
0x26f: {  	s0 =	sand.u32 $0x1FFF8, s31;
	s10 =	sadd.s32 s1, s10  }
0x270: {  	[tilespmem:s6], [sflag:$0x8] =	stream.linear.gather [hbm4b:s10+s11], $0x80, $0x38;
	[tilespmem:$0x1C938] =	vst v63  }
0x271: {  	s0 =	sadd.s32 s1, s0  }
0x272: {  	[tilespmem:s7], [sflag:$0x8] =	stream.linear.gather [hbm4b:s0+s11], $0x80, $0x38;
	[tilespmem:$0x1C938] =	vst v63  }
0x273: {  	_ =	swait.ge [sflag:s4], $0x200  }
0x274: {  	[sflag:s4] =	ssyncset.done $0x0  }
0x275: {  	[sflag:s4] =	ssyncadd.s32 $0xFFFFFE00  }
0x276: {  	s10 =	smov.u32 s3;
	s0 =	simm.s32 $0x0;
	v1 =	vld [tilespmem:s9+$0x0]  }
.LBB2_71:
0x277: {  	s0 =	sadd.s32 $0x10, s0  }
0x278: {  	p1 =	slt.u32 s0, $0x1F0  }
.Ltmp56:
0x279: {  	_ = 	snop;
	(pc) =	sbr.rel @p1 .LBB2_71-.Ltmp56, $3  }
0x27a: {  	_ =	sdelay $0x1  }
0x27b: {  	s9 =	sadd.s32 $0x10, s9;
	[tilespmem:s10+$0x0] =	vst.add.f32.msk $0xffff, v1;
	s10 =	sadd.s32 $0x10, s10  }
0x27c: {  	v1 =	vld [tilespmem:s9+$0x0]  }
0x27d: {  	_ =	sdelay $0x3  }
0x27e: {  	[tilespmem:s10+$0x0] =	vst.add.f32.msk $0xffff, v1  }
.LBB2_73:
0x27f: {  	s0 =	sshll.u32 s2, $0xB  }
0x280: {  	[tilespmem:s2+$0xC818] =	vst.msk $0x1, v0;
	s0 =	sshra.s32 s0, $0x2  }
0x281: {  	s9 =	simm.s32 $0x0;
	s10 =	smov.u32 s3;
	v0 =	vld [tilespmem:s3+$0x0];
	s0 =	sadd.s32 $0xC838, s0  }
.LBB2_74:
0x282: {  	s9 =	sadd.s32 $0x10, s9  }
0x283: {  	p1 =	slt.u32 s9, $0x1F0  }
.Ltmp57:
0x284: {  	_ = 	snop;
	(pc) =	sbr.rel @p1 .LBB2_74-.Ltmp57, $3  }
0x285: {  	_ =	sdelay $0x1  }
0x286: {  	s10 =	sadd.s32 $0x10, s10;
	[tilespmem:s0+$0x0] =	vst v0;
	s0 =	sadd.s32 $0x10, s0  }
0x287: {  	v0 =	vld [tilespmem:s10+$0x0]  }
.Ltmp58:
0x288: {  	_ = 	snop;
	(pc) =	sbr.rel .LBB2_76-.Ltmp58, $2  }
0x289: {  	_ =	sdelay $0x2  }
0x28a: {  	s2 =	sadd.s32 $0x1, s2;
	[tilespmem:s0+$0x0] =	vst v0  }
.LBB2_77:
0x28b: {  	p1 =	slt.s32 s2, $0x1  }
.Ltmp59:
0x28c: {  	_ = 	snop;
	(pc) =	sbr.rel @p1 .LBB2_81-.Ltmp59, $3  }
0x28d: {  	_ =	sdelay $0x1  }
0x28e: {  	s0 =	simm.s32 $0x8  }
0x28f: {  	[sflag:s0] =	ssyncpa.u1 $0x1;
	s0 =	simm.s32 $0x0  }
0x290: {  	s3 =	simm.s32 $0xC818  }
0x291: {  	v0 =	vld.msk [tilespmem:s3+$0x0], $0x1;
	_ =	sdelay $0x4  }
0x292: {  	(v2sf) =	vpush v0, $0x0;
	_ =	sdelay $0xe  }
0x293: {  	s7 =	spop (v2sf)  }
0x294: {  	s2 =	sadd.s32 $0xFFFFFFFF, s2;
	p1 =	sgt.u32 s7, $0xFE70  }
0x295: {  	s3 =	simm.s32 $0xC838;
	s4 =	sand.u32 @!p1 $0xFFF8, s7;
	s8 =	sadd.s32 @!p1 $0x80, s7  }
0x296: {  	s5 =	sand.u32 @!p1 $0x7, s7;
	s4 =	sadd.s32 @!p1 s1, s4;
	s8 =	sand.u32 @!p1 $0x1FFF8, s8  }
0x297: {  	[hbm4b:s4+s5] =	stream.linear.scatter @!p1 [tilespmem:s3], [sflag:$0x7], $0x80, $0x38;
	[tilespmem:$0x1C938] =	vst v63  }
0x298: {  	p2 =	sne.s32 s2, $0x0;
	s3 =	simm.s32 @!p1 $0xC8B8;
	s4 =	sadd.s32 @!p1 s1, s8  }
0x299: {  	[hbm4b:s4+s5] =	stream.linear.scatter @!p1 [tilespmem:s3], [sflag:$0x7], $0x80, $0x38;
	[tilespmem:$0x1C938] =	vst v63  }
.Ltmp60:
0x29a: {  	s6 =	simm.s32 $0x0;
	s9 =	sadd.s32 @!p1 $0x100, s7;
	(pc) =	sbr.rel @!p2 .LBB2_80-.Ltmp60, $4  }
0x29b: {  	s6 =	simm.s32 @!p1 $0x800;
	s8 =	sand.u32 @!p1 $0x1FFF8, s9;
	s3 =	simm.s32 @!p1 $0xC938  }
0x29c: {  	s4 =	sadd.s32 @!p1 s1, s8;
	s8 =	sadd.s32 @!p1 $0x180, s7;
	s7 =	simm.s32 @!p1 $0xC9B8  }
0x29d: {  	[hbm4b:s4+s5] =	stream.linear.scatter @!p1 [tilespmem:s3], [sflag:$0x7], $0x80, $0x38;
	[tilespmem:$0x1C938] =	vst v63  }
0x29e: {  	s8 =	sand.u32 @!p1 $0x1FFF8, s8;
	s3 =	simm.s32 $0xC819;
	s4 =	simm.s32 $0xCA38  }
.LBB2_79:
0x29f: {  	s2 =	sadd.s32 $0xFFFFFFFF, s2;
	s8 =	sadd.s32 @!p1 s1, s8;
	s0 =	sadd.s32 s0, s6  }
0x2a0: {  	[hbm4b:s8+s5] =	stream.linear.scatter @!p1 [tilespmem:s7], [sflag:$0x7], $0x80, $0x38;
	[tilespmem:$0x1C938] =	vst v63  }
0x2a1: {  	p2 =	sne.s32 s2, $0x0;
	s7 =	smov.u32 s4;
	v0 =	vld.msk [tilespmem:s3+$0x0], $0x1;
	_ =	sdelay $0x4  }
0x2a2: {  	(v2sf) =	vpush v0, $0x0;
	_ =	sdelay $0xe  }
0x2a3: {  	s6 =	spop (v2sf)  }
0x2a4: {  	s4 =	sadd.s32 $0x200, s4;
	s3 =	sadd.s32 $0x1, s3;
	p1 =	sgt.u32 s6, $0xFE70  }
0x2a5: {  	s5 =	sand.u32 @!p1 $0xFFF8, s6;
	s8 =	sadd.s32 @!p1 $0x80, s6;
	s9 =	sadd.s32 @!p1 $0x100, s6  }
0x2a6: {  	s10 =	sadd.s32 @!p1 s1, s5;
	s5 =	sand.u32 @!p1 $0x7, s6;
	s8 =	sand.u32 @!p1 $0x1FFF8, s8  }
0x2a7: {  	[hbm4b:s10+s5] =	stream.linear.scatter @!p1 [tilespmem:s7], [sflag:$0x7], $0x80, $0x38;
	[tilespmem:$0x1C938] =	vst v63  }
0x2a8: {  	s9 =	sand.u32 @!p1 $0x1FFF8, s9;
	s10 =	sadd.s32 @!p1 $0x80, s7  }
.Ltmp61:
0x2a9: {  	s8 =	sadd.s32 @!p1 s1, s8;
	s9 =	sadd.s32 @!p1 s1, s9;
	(pc) =	sbr.rel @p2 .LBB2_79-.Ltmp61, $4  }
0x2aa: {  	[hbm4b:s8+s5] =	stream.linear.scatter @!p1 [tilespmem:s10], [sflag:$0x7], $0x80, $0x38;
	[tilespmem:$0x1C938] =	vst v63  }
0x2ab: {  	s8 =	sadd.s32 @!p1 $0x100, s7;
	s10 =	sadd.s32 @!p1 $0x180, s6;
	s6 =	simm.s32 $0x0  }
0x2ac: {  	[hbm4b:s9+s5] =	stream.linear.scatter @!p1 [tilespmem:s8], [sflag:$0x7], $0x80, $0x38;
	[tilespmem:$0x1C938] =	vst v63  }
0x2ad: {  	s7 =	sadd.s32 @!p1 $0x180, s7;
	s6 =	simm.s32 @!p1 $0x800;
	s8 =	sand.u32 @!p1 $0x1FFF8, s10  }
.LBB2_80:
0x2ae: {  	s1 =	sadd.s32 @!p1 s1, s8;
	s0 =	sadd.s32 s0, s6  }
0x2af: {  	[hbm4b:s1+s5] =	stream.linear.scatter @!p1 [tilespmem:s7], [sflag:$0x7], $0x80, $0x38;
	[tilespmem:$0x1C938] =	vst v63  }
0x2b0: {  	s0 =	sshrl.u32 s0, $0x2  }
.LBB2_81:
0x2b1: {  	s1 =	simm.s32 $0x7  }
0x2b2: {  	_ =	swait.ge [sflag:s1], s0  }
0x2b3: {  	s31 =	ssub.s32 $0x0, s0;
	[sflag:s1] =	ssyncset.done $0x0  }
0x2b4: {  	[sflag:s1] =	ssyncadd.s32 s31  }
0x2b5: {  	[sflag:s1] =	ssyncpa.u1 $0x1  }
.LBB2_82:
0x2b6: {  	_ =	sfence;
	s0 =	simm.s32 $0x1  }
0x2b7: {  	[sflag:s0] =	ssyncpa.u1 $0x1  }
0x2b8: {  	_ =	strace $0x9000004D  }
0x2b9: {  	[bflag:$0x2] =	sbarrier.arrive $0xFFFF  }
0x2ba: {  	s0 =	rddreg [dreg:$0x4]  }
0x2bb: {  	s0 =	sadd.s32 @!p0 $0x100000, s0  }
0x2bc: {  	[sflag:s0] =	ssyncadd.tile.s32 @!p0 $0x1;
	_ =	shalt  }
.Lfunc_end2:
_tile_overlayer_lowered:
.L_overlay_start_2:
0x2bd: {  	(tag) =	ssettag $0x2  }
0x2be: {  	s0 =	rddreg [dreg:$0x0];
	s2 =	stileid.u32  }
0x2bf: {  	s1 =	rddreg [dreg:$0x1];
	p0 =	sne.s32 s2, $0x0  }
0x2c0: {  	s3 =	rddreg [dreg:$0x2];
	[bflag:$0x3] =	sbarrier.arrive $0xFFFF;
	s2 =	simm.s32 @!p0 $0x1C01  }
0x2c1: {  	[timem:s3], [sflag:s2] =	dma.local @!p0 [hbm:s0], s1  }
0x2c2: {  	s0 =	simm.s32 @!p0 $0x1  }
0x2c3: {  	_ =	swait.ge @!p0 [sflag:s0], s1  }
0x2c4: {  	s1 =	ssub.s32 @!p0 $0x0, s1;
	[sflag:s0] =	ssyncset.done @!p0 $0x0  }
0x2c5: {  	[sflag:s0] =	ssyncadd.s32 @!p0 s1  }
0x2c6: {  	[bflag:$0x3] =	sbarrier.arrive $0xFFFF  }
0x2c7: {  	_ =	shalt  }

// kernel: scatter_offload_async_start
scs
__scs_entry_jumppad:
0x0: {  	(pc) =	sbr.rel $0x88, $3  }
0x1: {  	(tag) =	ssettag $0x0;
	lr =	simm.s32 $0x1  }
0x2: {  	[smem:$0x3F88] =	sst lr;
	_ =	strace $0xD0000000  }
0x3: {  	_ = 	snop  }
0x4: {  	_ = 	snop  }
0x5: {  	_ = 	snop  }
0x6: {  	_ = 	snop  }
0x7: {  	_ = 	snop  }
__scs_overlays_trampoline_lowered:
0x8: {  	[smem:$0x3F97] =	sst s0  }
0x9: {  	[smem:$0x3F98] =	sst s1  }
0xa: {  	[smem:$0x3F99] =	sst s2  }
0xb: {  	[smem:$0x3F9A] =	sst s3  }
0xc: {  	[smem:$0x3F9B] =	sst s4  }
0xd: {  	[smem:$0x3F9C] =	sst s5  }
0xe: {  	[smem:$0x3F9D] =	sst s6  }
0xf: {  	[smem:$0x3F9E] =	sst s7  }
0x10: {  	[smem:$0x3F9F] =	sst s8  }
0x11: {  	[smem:$0x3FA0] =	sst s9;
	s0 =	simm.s32 @!p0 $0x0  }
0x12: {  	s1 =	sld [smem:$0x3F86];
	s0 =	simm.s32 @p0 $0x1  }
0x13: {  	[smem:$0x3FA1] =	sst s0;
	s0 =	simm.s32 @!p1 $0x0  }
0x14: {  	s2 =	sld [smem:$0x3F85];
	s0 =	simm.s32 @p1 $0x1  }
0x15: {  	[smem:$0x3FA2] =	sst s0;
	s0 =	simm.s32 @!p2 $0x0  }
0x16: {  	s3 =	sld [smem:$0x3FDB];
	s0 =	simm.s32 @p2 $0x1  }
0x17: {  	s4 =	simm.s32 $0x1BF5;
	[smem:$0x3FA4] =	sst s0  }
0x18: {  	s0 =	sld [smem:$0x3F87];
	_ =	swait.ge [sflag:s4], $0x0  }
0x19: {  	s7 =	sld [smem:$0x3F88]  }
0x1a: {  	s8 =	sadd.s32 $0xFFFFE003, lr  }
0x1b: {  	s9 =	sadd.s32 $0xFFFFFEF7, lr;
	s5 =	simm.s32 $0xFFFFFFFF;
	p2 =	slt.u32 s8, $0xFFFFF086  }
0x1c: {  	p1 =	slt.u32 s9, $0xF7A;
	s5 =	simm.s32 @!p2 $0x0  }
0x1d: {  	s5 =	simm.s32 @p1 $0x1;
	p0 =	seq.s32 s7, s2  }
0x1e: {  	s7 =	smul.u32 @!p0 $0xF7A, s2;
	p2 =	seq.s32 @!p0 s5, $0x0  }
0x1f: {  	s9 =	smul.u32 $0xF7A, s1;
	s8 =	simm.s32 @!p0 $0x1BF5;
	p2 =	por !p2, p0  }
0x20: {  	[sflag:s8] =	ssyncset.s32 @!p0 $0xFFFFF086;
	s6 =	sadd.s32 @!p0 s3, s7;
	s7 =	simm.s32 @!p0 $0x108  }
0x21: {  	s3 =	sadd.s32 s3, s9;
	s6 =	sadd.s32 @!p0 $0x88, s6;
	s7 =	simm.s32 @p2 $0x1082  }
0x22: {  	[simem:s7], [sflag:s8] =	dma.local @!p0 [hbm:s6], $0xF7A  }
0x23: {  	s9 =	sor.u32 $0xD0000000, s2;
	s6 =	simm.s32 $0x108;
	_ =	swait.ge @!p0 [sflag:s8], $0x0  }
0x24: {  	s3 =	sadd.s32 $0x88, s3;
	s6 =	simm.s32 @!p1 $0x1082;
	[sflag:s4] =	ssyncset.s32 $0xFFFFF086  }
0x25: {  	[simem:s6], [sflag:s4] =	dma.local [hbm:s3], $0xF7A  }
0x26: {  	[smem:$0x3F88] =	sst s1;
	(tag) =	ssettag s2;
	_ =	strace s9  }
0x27: {  	s1 =	sld [smem:$0x3F98]  }
0x28: {  	s2 =	sld [smem:$0x3F99]  }
0x29: {  	s4 =	sld [smem:$0x3F9B]  }
0x2a: {  	p0 =	seq.s32 s5, $0x0;
	s5 =	sld [smem:$0x3F9C]  }
0x2b: {  	s6 =	sld [smem:$0x3F9D]  }
0x2c: {  	s7 =	sld [smem:$0x3F9E]  }
0x2d: {  	s3 =	simm.s32 $0x108;
	s8 =	sld [smem:$0x3F9F]  }
0x2e: {  	s3 =	simm.s32 @!p0 $0x1082;
	s9 =	sld [smem:$0x3FA0]  }
0x2f: {  	lr =	sadd.s32 s0, s3;
	s0 =	sld [smem:$0x3F97]  }
0x30: {  	s3 =	sld [smem:$0x3F9A]  }
0x31: {  	[smem:$0x3FA3] =	sst s10  }
0x32: {  	s10 =	sld [smem:$0x3FA1];
	_ =	sdelay $0x3  }
0x33: {  	p0 =	seq.s32 s10, $0x1;
	s10 =	sld [smem:$0x3FA3];
	_ =	sdelay $0x3  }
0x34: {  	[smem:$0x3FA3] =	sst s10  }
0x35: {  	s10 =	sld [smem:$0x3FA2];
	_ =	sdelay $0x3  }
0x36: {  	p1 =	seq.s32 s10, $0x1;
	s10 =	sld [smem:$0x3FA3];
	_ =	sdelay $0x3  }
0x37: {  	[smem:$0x3FA3] =	sst s10  }
0x38: {  	s10 =	sld [smem:$0x3FA4]  }
0x39: {  	_ = 	snop;
	(pc) =	sbr.ind lr, $3  }
0x3a: {  	_ = 	snop  }
0x3b: {  	_ = 	snop  }
0x3c: {  	p2 =	seq.s32 s10, $0x1;
	s10 =	sld [smem:$0x3FA3]  }
0x3d: {  	_ =	shalt  }
0x3e: {  	_ =	shalt  }
0x3f: {  	_ =	shalt  }
0x40: {  	_ =	shalt  }
0x41: {  	_ =	shalt  }
0x42: {  	_ =	shalt  }
0x43: {  	_ =	shalt  }
0x44: {  	_ =	shalt  }
0x45: {  	_ =	shalt  }
0x46: {  	_ =	shalt  }
0x47: {  	_ =	shalt  }
0x48: {  	_ =	shalt  }
0x49: {  	_ =	shalt  }
0x4a: {  	_ =	shalt  }
0x4b: {  	_ =	shalt  }
0x4c: {  	_ =	shalt  }
0x4d: {  	_ =	shalt  }
0x4e: {  	_ =	shalt  }
0x4f: {  	_ =	shalt  }
0x50: {  	_ =	shalt  }
0x51: {  	_ =	shalt  }
0x52: {  	_ =	shalt  }
0x53: {  	_ =	shalt  }
0x54: {  	_ =	shalt  }
0x55: {  	_ =	shalt  }
0x56: {  	_ =	shalt  }
0x57: {  	_ =	shalt  }
0x58: {  	_ =	shalt  }
0x59: {  	_ =	shalt  }
0x5a: {  	_ =	shalt  }
0x5b: {  	_ =	shalt  }
0x5c: {  	_ =	shalt  }
0x5d: {  	_ =	shalt  }
0x5e: {  	_ =	shalt  }
0x5f: {  	_ =	shalt  }
0x60: {  	_ =	shalt  }
0x61: {  	_ =	shalt  }
0x62: {  	_ =	shalt  }
0x63: {  	_ =	shalt  }
0x64: {  	_ =	shalt  }
0x65: {  	_ =	shalt  }
0x66: {  	_ =	shalt  }
0x67: {  	_ =	shalt  }
0x68: {  	_ =	shalt  }
0x69: {  	_ =	shalt  }
0x6a: {  	_ =	shalt  }
0x6b: {  	_ =	shalt  }
0x6c: {  	_ =	shalt  }
0x6d: {  	_ =	shalt  }
0x6e: {  	_ =	shalt  }
0x6f: {  	_ =	shalt  }
0x70: {  	_ =	shalt  }
0x71: {  	_ =	shalt  }
0x72: {  	_ =	shalt  }
0x73: {  	_ =	shalt  }
0x74: {  	_ =	shalt  }
0x75: {  	_ =	shalt  }
0x76: {  	_ =	shalt  }
0x77: {  	_ =	shalt  }
0x78: {  	_ =	shalt  }
0x79: {  	_ =	shalt  }
0x7a: {  	_ =	shalt  }
0x7b: {  	_ =	shalt  }
0x7c: {  	_ =	shalt  }
0x7d: {  	_ =	shalt  }
0x7e: {  	_ =	shalt  }
0x7f: {  	_ =	shalt  }
0x80: {  	_ =	shalt  }
0x81: {  	_ =	shalt  }
0x82: {  	_ =	shalt  }
0x83: {  	_ =	shalt  }
0x84: {  	_ =	shalt  }
0x85: {  	_ =	shalt  }
0x86: {  	_ =	shalt  }
0x87: {  	_ =	shalt  }
.Lfunc_end0:
.L_simem_size_0:
called_computation_lowered:
.L_overlay_start_0:
0x88: {  	s0 =	sld [smem:$0x3FD9]  }
0x89: {  	s1 =	sld [smem:$0x3FFE];
	_ =	sdelay $0x3  }
0x8a: {  	s0 =	sadd.s32 s1, s0  }
0x8b: {  	[smem:$0x3FAF] =	sst s0  }
0x8c: {  	_ = 	snop  }
0x8d: {  	s0 =	sld [smem:$0x3FD0];
	_ =	sdelay $0x2  }
0x8e: {  	s14 =	simm.s32 $0xB;
	s2 =	simm.s32 $0x10  }
0x8f: {  	[smem:s2], [sflag:s14] =	dma.local [hbm:s0], $0x1  }
0x90: {  	_ =	swait.eq [sflag:s14], $0x1  }
0x91: {  	s15 =	sld [smem:$0x10];
	[sflag:s14] =	ssyncset.done $0x0  }
0x92: {  	s16 =	sld [smem:$0x11];
	[sflag:s14] =	ssyncadd.s32 $0xFFFFFFFF  }
0x93: {  	s17 =	sld [smem:$0x15];
	(tm) =	ssettm $0x1  }
0x94: {  	s3 =	sld [smem:$0x3FFB];
	_ =	sdelay $0x3  }
0x95: {  	_ =	strace s3  }
0x96: {  	s3 =	sld [smem:$0x3FFC];
	_ =	sdelay $0x3  }
0x97: {  	_ =	strace s3  }
0x98: {  	s3 =	sld [smem:$0x3FFD];
	_ =	sdelay $0x3  }
0x99: {  	_ =	strace s3  }
0x9a: {  	_ =	strace $0x8FFFFFFF  }
0x9b: {  	s18 =	sld [smem:$0x3FDB];
	_ =	sdelay $0x1  }
0x9c: {  	s4 =	simm.s32 $_scs_section_size  }
0x9d: {  	s5 =	simm.s32 $_size__tile_overlayer_lowered;
	s6 =	simm.s32 $_tile_overlayer_lowered  }
0x9e: {  	s21 =	simm.s32 $0x1BFF;
	s20 =	sshll.u32 s6, $0x1;
	s3 =	sadd.s32 s4, s18  }
0x9f: {  	s7 =	simm.s32 $0x0;
	s19 =	sshll.u32 s5, $0x1;
	s5 =	sadd.s32 s20, s3  }
0xa0: {  	[timem:s7], [sflag:s21] =	dma.local [hbm:s5], s19  }
0xa1: {  	_ =	swait.ge [sflag:s21], s19  }
0xa2: {  	s4 =	ssub.s32 $0x0, s19;
	[sflag:s21] =	ssyncset.done $0x0  }
0xa3: {  	[sflag:s21] =	ssyncadd.s32 s4;
	_ =	sdelay $0x1  }
0xa4: {  	s22 =	simm.s32 $0x1B8B  }
0xa5: {  	_ =	swait.ge [sflag:s22], $0x1  }
0xa6: {  	[sflag:s22] =	ssyncset.done $0x0  }
0xa7: {  	s23 =	simm.s32 $0x1B8E;
	[sflag:s22] =	ssyncadd.s32 $0xFFFFFFFF  }
0xa8: {  	s24 =	simm.s32 $execute0_lowered;
	[smem:$0x3FD2] =	sst s23  }
0xa9: {  	s4 =	sshll.u32 s24, $0x1;
	_ =	strace $0x80000046;
	[dreg:$0x1] =	wrdreg $0xFFFFFFFF  }
0xaa: {  	s25 =	simm.s32 $_size_execute0_lowered;
	s3 =	sadd.s32 s3, s4;
	[dreg:$0x0] =	wrdreg $0x0  }
0xab: {  	s4 =	sshll.u32 s25, $0x1;
	[dreg:$0x2] =	wrdreg s3  }
0xac: {  	[dreg:$0x3] =	wrdreg s4  }
0xad: {  	[dreg:$0x4] =	wrdreg $0xC0  }
0xae: {  	_ =	task [dreg:s7], $0x5FFFF  }
0xaf: {  	[dreg:$0x1] =	wrdreg $0xFFFFFFFF  }
0xb0: {  	[dreg:$0x0] =	wrdreg $0x60  }
0xb1: {  	[dreg:$0x2] =	wrdreg s16  }
0xb2: {  	[dreg:$0x3] =	wrdreg s17  }
0xb3: {  	[dreg:$0x4] =	wrdreg s15  }
0xb4: {  	[dreg:$0x5] =	wrdreg $0x9  }
0xb5: {  	_ =	task.clear_ibuf [dreg:s7], $0x6FFFF;
	_ =	strace $0x90000046  }
0xb6: {  	s26 =	simm.s32 $0x9;
	_ =	strace $0x80000048  }
0xb7: {  	_ =	swait.ge [sflag:s26], $0x1  }
0xb8: {  	[sflag:s26] =	ssyncadd.s32 $0xFFFFFFFF  }
0xb9: {  	_ =	strace $0x90000048  }
0xba: {  	_ =	sfence  }
0xbb: {  	s28 =	sld [smem:$0x0];
	_ =	sdelay $0x1  }
0xbc: {  	s29 =	srdreg.scid  }
0xbd: {  	s30 =	sshll.u32 s29, $0xD;
	s31 =	sshrl.u32 s29, $0x2  }
0xbe: {  	s1 =	sand.u32 $0x1, s29;
	s2 =	sand.u32 $0x4000, s30;
	s0 =	sadd.s32 s31, s28  }
0xbf: {  	s1 =	sor.u32 s2, s1;
	s0 =	sshll.u32 s0, $0x11  }
0xc0: {  	s0 =	sor.u32 s0, s1  }
0xc1: {  	s0 =	sadd.s32 $0x8F2B, s0  }
0xc2: {  	[sflag:s0] =	ssyncadd.remote.s32 $0x1  }
0xc3: {  	_ =	sfence.sel $0xFFFF  }
0xc4: {  	[dreg:$0x0] =	wrdreg $0xFFFFFFFF;
	(pc) =	sbr.abs _section_cstart, $3  }
0xc5: {  	[dreg:$0x1] =	wrdreg $0xFFFFFFFF  }
0xc6: {  	_ =	task.clear_ibuf [dreg:s7], $0x2FFFF;
	_ =	strace $0x9FFFFFFF  }
0xc7: {  	(tm) =	ssettm $0x7FFFFFFF  }
tec
execute0_lowered:
.L_overlay_start_1:
0x0: {  	(tag) =	ssettag $0x1  }
0x1: {  	s1 =	rddreg [dreg:$0x0];
	_ =	strace $0x80000047;
	s5 =	simm.s32 $0x1  }
0x2: {  	v1 =	vimm.s32 $0xFFFFFFFF;
	[sflag:s5] =	ssyncpa.u1 $0x0  }
0x3: {  	[tilespmem:$0x10] =	vst v1  }
0x4: {  	v0 =	vimm.f32 $-Inf;
	[tilespmem:$0x20] =	vst v1  }
0x5: {  	[tilespmem:$0x30] =	vst v0  }
0x6: {  	s0 =	simm.s32 $0x2;
	[tilespmem:$0x40] =	vst v0  }
0x7: {  	s6 =	simm.s32 $0x7;
	s2 =	stileid.u32;
	s7 =	simm.s32 $0x8;
	[tilespmem:$0x50] =	vst v0  }
0x8: {  	s31 =	simm.s32 $0x9;
	s14 =	simm.s32 $0x0;
	s15 =	simm.s32 $0x100;
	[tilespmem:$0x60] =	vst v1  }
0x9: {  	s17 =	simm.s32 $0x1FF;
	s18 =	simm.s32 $0x10;
	s19 =	simm.s32 $0xA00;
	[tilespmem:$0x70] =	vst v1  }
0xa: {  	s20 =	simm.s32 $0xF;
	s21 =	simm.s32 $0x50;
	s22 =	simm.s32 $0x4FF;
	[tilespmem:$0x80] =	vst v1  }
0xb: {  	s23 =	simm.s32 $0x20;
	s24 =	simm.s32 $0x30;
	s25 =	simm.s32 $0x8FF;
	v1 =	vimm.s32 $0x0;
	[tilespmem:$0xB0] =	vst v0  }
.Ltmp0:
0xc: {  	s26 =	simm.s32 $0x80;
	s30 =	simm.s32 $0x0;
	[tilespmem:$0x90] =	vst v1;
	(pc) =	sbr.rel .LBB2_1-.Ltmp0, $4  }
0xd: {  	s29 =	simm.s32 $0x0;
	s8 =	sshll.u32 s2, $0x8;
	[tilespmem:$0xA0] =	vst v1;
	[sflag:s0] =	ssyncpa.u1 $0x0  }
0xe: {  	s10 =	sshll.u32 s2, $0x1;
	s12 =	sshllo.u32 s2, $0x1;
	[sflag:s6] =	ssyncpa.u1 $0x0  }
0xf: {  	vm0 =	vmmov $0xffff;
	v2 =	vlaneseq.u32;
	vm1 =	vmxor vm1, vm1;
	s9 =	sadd.s32 $0x100, s8;
	s11 =	sor.u32 $0x81, s10;
	[sflag:s7] =	ssyncpa.u1 $0x0  }
0x10: {  	vm2 =	vmmov $0x1;
	v3 =	vimm.f32 $0.0e+00;
	vm3 =	vcmask $0x3F3C;
	s13 =	sor.u32 $0x80, s10;
	s28 =	smov.u32 s8;
	[sflag:s31] =	ssyncpa.u1 $0x0  }
.LBB2_3:
0x11: {  	s0 =	sshrl.u32 s28, $0x3;
	s2 =	rddreg [dreg:$0x1]  }
0x12: {  	s31 =	sand.u32 $0x7, s28;
	s0 =	sadd.s32 s2, s0  }
0x13: {  	[tilespmem:s15], [sflag:$0x7] =	stream.linear.gather [hbm4b:s0+s31], $0x100, $0x38;
	[tilespmem:$0xA20] =	vst v63  }
.LBB2_4:
0x14: {  	s0 =	sadd.s32 $0x100, s28  }
0x15: {  	s2 =	smov.u32 s8;
	s29 =	sadd.s32 $0x1, s29;
	p0 =	slt.s32 s0, s9  }
0x16: {  	s2 =	smov.u32 @p0 s0;
	p0 =	sne.s32 s29, $0x4  }
.Ltmp1:
0x17: {  	_ = 	snop;
	(pc) =	sbr.rel @!p0 .LBB2_13-.Ltmp1, $2  }
0x18: {  	_ =	sdelay $0x2  }
0x19: {  	s30 =	smov.u32 s28;
	s28 =	smov.u32 s2  }
.LBB2_1:
0x1a: {  	p0 =	sgt.s32 s29, $0x1  }
.Ltmp2:
0x1b: {  	_ = 	snop;
	(pc) =	sbr.rel @p0 .LBB2_11-.Ltmp2, $1  }
0x1c: {  	_ =	sdelay $0x3  }
0x1d: {  	p0 =	seq.s32 s29, $0x0  }
.Ltmp3:
0x1e: {  	_ = 	snop;
	(pc) =	sbr.rel @p0 .LBB2_3-.Ltmp3, $1  }
0x1f: {  	_ =	sdelay $0x3  }
0x20: {  	_ =	swait.ge [sflag:s6], $0x100  }
0x21: {  	[sflag:s6] =	ssyncset.done $0x0  }
0x22: {  	[sflag:s6] =	ssyncadd.s32 $0xFFFFFF00;
	(ifvalue) =	ssetifvalue $0xFFFFFFFF;
	v4 =	vld.msk [tilespmem:s15+$0x0 ss:$0x1], $0xffff;
	_ =	sdelay $0x4  }
0x23: {  	v5 =	vperm.xlane v4, v1  }
0x24: {  	vm4 =	vlt.u32 v4, $0x400  }
0x25: {  	v4 =	vnsel vm4, $0xFFFFFFFE, v4;
	vm4 =	vlt.u32 v5, $0x400  }
0x26: {  	[tilespmem:$0x70] =	vst v4;
	v4 =	vnsel vm4, $0xFFFFFFFE, v5  }
0x27: {  	s4 =	simm.s32 $0x1F0;
	[tilespmem:$0x80] =	vst v4  }
0x28: {  	v4 =	vld.msk [tilespmem:s4+$0x0 ss:$0x1], $0xffff;
	_ =	sdelay $0x4  }
0x29: {  	(xrf1) =	vunique.msk.u32 $0xffff, v4;
	_ =	sdelay $0xd  }
0x2a: {  	v5 =	vimm.s32 $0xFFFFFFFF;
	v6, _, _ =	vpop (xrf1)  }
0x2b: {  	vm5 =	vne.s32 v4, v5;
	vm4 =	veq.s32 v6, v2  }
0x2c: {  	vm6 =	vlt.u32 v4, $0x400;
	vm4 =	vmand vm5, vm4  }
0x2d: {  	vm4 =	vmand vm6, vm4  }
0x2e: {  	v5 =	vnsel vm4, $0xFFFFFFFF, v4;
	_ =	sdelay $0x3  }
0x2f: {  	s0 =	simm.s32 $0x4F0;
	(ifvalue) =	ssetifvalue $0xFFFFFFFF  }
0x30: {  	v4 =	vperm.xlane v4, v1;
	[tilespmem:s0], [sflag:$0x8] =	stream.indirect_vreg.gather [hbm4b:s1+s14], $0x1, v5, vm0, $0x4038;
	v5 =	vnsel vm6, $0xFFFFFFFE, v5;
	[tilespmem:$0xA20] =	vst v63  }
0x31: {  	s2 =	simm.s32 $0x0;
	s3 =	simm.s32 $0x1E0;
	[tilespmem:s4+$0x0] =	vst v5  }
.LBB2_6:
0x32: {  	v5 =	vld.msk [tilespmem:s3+$0x0 ss:$0x1], $0xffff;
	s2 =	sadd.s32 $0x10, s2;
	v6 =	vmov v4;
	s4 =	smov.u32 s3  }
0x33: {  	p0 =	slt.u32 s2, $0xF0;
	_ =	sdelay $0x4  }
0x34: {  	v4 =	vperm.xlane v5, v1;
	(xrf1) =	vunique.msk.u32 $0xffff, v5;
	_ =	sdelay $0xd  }
0x35: {  	v7, _, _ =	vpop (xrf1)  }
0x36: {  	vm5 =	vne.s32 v5, v6;
	vm4 =	veq.s32 v7, v2  }
0x37: {  	vm6 =	vlt.u32 v5, $0x400;
	vm4 =	vmand vm5, vm4  }
0x38: {  	vm4 =	vmand vm6, vm4  }
0x39: {  	v5 =	vnsel vm4, $0xFFFFFFFF, v5  }
.Ltmp4:
0x3a: {  	v6 =	vnsel vm6, $0xFFFFFFFE, v5;
	(pc) =	sbr.rel @p0 .LBB2_6-.Ltmp4, $3  }
0x3b: {  	_ =	sdelay $0x1  }
0x3c: {  	s3 =	sadd.s32 $0xFFFFFFF0, s3;
	s0 =	sadd.s32 $0xFFFFFFF0, s0;
	(ifvalue) =	ssetifvalue $0xFFFFFFFF  }
0x3d: {  	[tilespmem:s0], [sflag:$0x8] =	stream.indirect_vreg.gather [hbm4b:s1+s14], $0x1, v5, vm0, $0x4038;
	[tilespmem:s4+$0x0] =	vst v6  }
.Ltmp5:
0x3e: {  	(pc) =	sbr.rel .LBB2_4-.Ltmp5, $4  }
0x3f: {  	_ = 	snop  }
0x40: {  	s0 =	sshrl.u32 s30, $0x3;
	s2 =	rddreg [dreg:$0x2]  }
0x41: {  	s31 =	simm.s32 $0x600;
	s0 =	sadd.s32 s2, s0  }
0x42: {  	[tilespmem:s31], [sflag:$0x8] =	stream.linear.gather [hbm:s0], $0x100, $0x38;
	[tilespmem:$0xA20] =	vst v63  }
.LBB2_11:
0x43: {  	p0 =	seq.s32 s29, $0x2  }
.Ltmp6:
0x44: {  	_ = 	snop;
	(pc) =	sbr.rel @!p0 .LBB2_12-.Ltmp6, $1  }
0x45: {  	_ =	sdelay $0x3  }
0x46: {  	_ =	swait.ge [sflag:s7], $0x200  }
0x47: {  	[sflag:s7] =	ssyncset.done $0x0  }
0x48: {  	[sflag:s7] =	ssyncadd.s32 $0xFFFFFE00  }
0x49: {  	[spmem:s11] =	stream.linear.scatter [tilespmem:s17], [sflag:$0x1], $0x1, $0x38;
	[tilespmem:$0xA20] =	vst v63  }
0x4a: {  	_ =	swait.ge [sflag:s5], $0x1  }
0x4b: {  	[sflag:s5] =	ssyncset.done $0x0  }
0x4c: {  	[sflag:s5] =	ssyncadd.s32 $0xFFFFFFFF  }
0x4d: {  	v5 =	vld [tilespmem:$0x10]  }
0x4e: {  	v6 =	vld [tilespmem:$0x70]  }
0x4f: {  	v4 =	vld [tilespmem:$0x80];
	_ =	sdelay $0x2  }
0x50: {  	(v2sf) =	vpush v5, $0x0  }
0x51: {  	(v2sf) =	vpush v6, $0x0  }
0x52: {  	(v2sf) =	vpush v4, $0x0;
	_ =	sdelay $0xc  }
0x53: {  	s0 =	spop (v2sf)  }
0x54: {  	s2 =	spop (v2sf)  }
0x55: {  	s30 =	spop (v2sf)  }
0x56: {  	p0 =	seq.s32 s0, s2;
	p1 =	seq.s32 s30, s0  }
0x57: {  	p1 =	por p0, p1  }
0x58: {  	v5 =	vpsel p1, $0xFFFFFFFF, v5  }
0x59: {  	[tilespmem:s18+$0x0] =	vst.msk $0x1, v5  }
0x5a: {  	v5 =	vld [tilespmem:$0x30]  }
0x5b: {  	v6 =	vld [tilespmem:$0x600]  }
0x5c: {  	v7 =	vld [tilespmem:$0x40];
	_ =	sdelay $0x2  }
0x5d: {  	vm4 =	vmmov vm1  }
0x5e: {  	vm5 =	vmmov vm2;
	s3 =	simm.s32 $0x600;
	vm4 =	vmmov @p0 vm2;
	v6 =	vmax.f32 v5, v6  }
0x5f: {  	vm5 =	vmmov @p1 vm1;
	v5 =	vmax.f32 v5, v7;
	[tilespmem:s3+$0x0] =	vst.msk vm4, v6  }
0x60: {  	[tilespmem:s19+$0x0] =	vst.msk vm5, v5  }
0x61: {  	v5 =	vld [tilespmem:$0x4F0];
	_ =	sdelay $0x4  }
0x62: {  	v5 =	vshift.insert v5, v3, s20;
	_ =	sdelay $0x1  }
0x63: {  	v6 =	vimm.f32 $-Inf;
	[tilespmem:s21+$0x0] =	vst.msk $0x1, v5  }
0x64: {  	[tilespmem:s22+$0x0] =	vst.msk $0x1, v6  }
0x65: {  	v5 =	vld [tilespmem:$0x1F0];
	_ =	sdelay $0x4  }
0x66: {  	v5 =	vshift.insert v5, v1, s20;
	_ =	sdelay $0x1  }
0x67: {  	s4 =	simm.s32 $0x100;
	[tilespmem:s23+$0x0] =	vst.msk $0x1, v5  }
0x68: {  	v7 =	vld [tilespmem:s4+$0x0]  }
0x69: {  	v8 =	vld [tilespmem:s3+$0x0];
	_ =	sdelay $0x4  }
0x6a: {  	vm4 =	vne.s32 v7, $0xFFFFFFFF;
	v6 =	vmax.f32 v8, v6  }
0x6b: {  	(xrf0) =	vmax.seg.scan.f32 vm4, v6  }
0x6c: {  	s16 =	simm.s32 $0x400;
	v8 =	vld [tilespmem:$0xA0]  }
0x6d: {  	v9 =	vld [tilespmem:s16+$0x0];
	_ =	sdelay $0x1  }
0x6e: {  	v6 =	vperm.xlane v5, v1;
	_ =	sdelay $0x1  }
0x6f: {  	vm6 =	veq.s32 v7, v4;
	vm7 =	veq.s32 v7, v6;
	vm5 =	veq.s32 v8, $0x1;
	v8, _, _ =	vpop (xrf0)  }
0x70: {  	vm8 =	vgt.u32 v7, $0xFFFFFFFD;
	vm7 =	vmor vm7, vm6;
	v9 =	vmax.f32 v8, v9  }
0x71: {  	s31 =	simm.s32 $0x800;
	v10 =	vld [tilespmem:$0x90];
	vm7 =	vmor vm7, vm8;
	v9 =	vsel vm6, v8, v9  }
0x72: {  	[tilespmem:s31+$0x0] =	vst v9;
	v9 =	vsel vm7, $0xFFFFFFFF, v7;
	_ =	sdelay $0x1  }
0x73: {  	vm9 =	vmand vm4, vm3  }
0x74: {  	s2 =	simm.s32 $0x610;
	s0 =	simm.s32 $0x0;
	s3 =	simm.s32 $0x110;
	v11 =	vsel vm9, $0xFF800000, v8  }
0x75: {  	s4 =	simm.s32 $0x810;
	s16 =	simm.s32 $0x410;
	vm4 =	vmor vm5, vm6;
	v7 =	vsel vm6, v8, v10;
	v8 =	vshift.insert v11, v0, s20;
	(ifvalue) =	ssetifvalue $0xFFFFFFFF  }
.LBB2_9:
0x76: {  	[hbm4b:s1+s14] =	stream.indirect_vreg.scatter [tilespmem:s31], [sflag:$0x2], $0x1, v9, vm0, $0x4038;
	[tilespmem:$0xA20] =	vst v63  }
0x77: {  	s0 =	sadd.s32 $0x10, s0;
	s31 =	smov.u32 s4;
	v9 =	vld [tilespmem:s3+$0x0]  }
0x78: {  	p0 =	slt.u32 s0, $0xF0;
	v10 =	vld [tilespmem:s2+$0x0];
	_ =	sdelay $0x4  }
0x79: {  	vm5 =	vne.s32 v9, $0xFFFFFFFF;
	v8 =	vmax.f32 v10, v8  }
0x7a: {  	(xrf0) =	vmax.seg.scan.f32 vm5, v8;
	_ =	sdelay $0x1  }
0x7b: {  	v8 =	vld [tilespmem:s16+$0x0]  }
0x7c: {  	vm6 =	veq.s32 v9, v4;
	vm7 =	veq.s32 v9, v6  }
0x7d: {  	vm8 =	vgt.u32 v9, $0xFFFFFFFD;
	vm4 =	vmor vm4, vm6;
	vm7 =	vmor vm7, vm6  }
0x7e: {  	vm7 =	vmor vm7, vm8  }
.Ltmp7:
0x7f: {  	vm5 =	vmand vm5, vm3;
	v9 =	vsel vm7, $0xFFFFFFFF, v9;
	v10, _, _ =	vpop (xrf0);
	(pc) =	sbr.rel @p0 .LBB2_9-.Ltmp7, $4  }
0x80: {  	v7 =	vsel vm6, v10, v7;
	v8 =	vmax.f32 v10, v8;
	v11 =	vsel vm5, $0xFF800000, v10  }
0x81: {  	v10 =	vsel vm6, v10, v8;
	v8 =	vshift.insert v11, v0, s20  }
0x82: {  	s3 =	sadd.s32 $0x10, s3;
	s2 =	sadd.s32 $0x10, s2;
	[tilespmem:s4+$0x0] =	vst v10  }
0x83: {  	s16 =	sadd.s32 $0x10, s16;
	s4 =	sadd.s32 $0x10, s4;
	(ifvalue) =	ssetifvalue $0xFFFFFFFF  }
0x84: {  	_ =	sdelay $0x3  }
0x85: {  	[hbm4b:s1+s14] =	stream.indirect_vreg.scatter [tilespmem:s31], [sflag:$0x2], $0x1, v9, vm0, $0x4038;
	[tilespmem:$0xA20] =	vst v63  }
0x86: {  	v4 =	vld [tilespmem:$0x8F0];
	_ =	sdelay $0x4  }
0x87: {  	v4 =	vshift.insert v4, v3, s20;
	_ =	sdelay $0x1  }
0x88: {  	[tilespmem:s24+$0x0] =	vst.msk $0x1, v4  }
0x89: {  	v4 =	vsel vm4, $0x1, v1;
	[tilespmem:$0x90] =	vst v7  }
0x8a: {  	[tilespmem:$0xA0] =	vst v4  }
0x8b: {  	[spmem:s12] =	stream.linear.scatter [tilespmem:s25], [sflag:$0x1], $0x1, $0x38;
	[tilespmem:$0xA20] =	vst v63  }
0x8c: {  	v4 =	vmctz.xlane vm4;
	_ =	swait.ge [sflag:s5], $0x1  }
0x8d: {  	(v2sf) =	vpush v5, $0x0  }
0x8e: {  	(v2sf) =	vpush v4, $0x0;
	_ =	sdelay $0xd  }
0x8f: {  	s0 =	spop (v2sf)  }
0x90: {  	s2 =	spop (v2sf)  }
0x91: {  	[sflag:s5] =	ssyncset.done $0x0;
	p0 =	sne.s32 s30, s0;
	p1 =	slt.s32 s2, $0xF  }
0x92: {  	[sflag:s5] =	ssyncadd.s32 $0xFFFFFFFF;
	v4 =	vimm.s32 @!p0 $0xFFFFFFFF;
	s2 =	simm.s32 @!p1 $0xF  }
0x93: {  	[tilespmem:$0x80] =	vst @!p0 v4;
	s31 =	sadd.s32 $0x90, s2  }
0x94: {  	[spmem:s10] =	stream.linear.scatter [tilespmem:s31], [sflag:$0x1], $0x1, $0x38;
	[tilespmem:$0xA20] =	vst v63  }
0x95: {  	_ =	swait.ge [sflag:s5], $0x1  }
0x96: {  	[sflag:s5] =	ssyncset.done $0x0  }
0x97: {  	[sflag:s5] =	ssyncadd.s32 $0xFFFFFFFF  }
0x98: {  	[spmem:s13] =	stream.linear.scatter [tilespmem:s26], [sflag:$0x1], $0x1, $0x38;
	[tilespmem:$0xA20] =	vst v63  }
0x99: {  	_ =	swait.ge [sflag:s5], $0x1  }
0x9a: {  	[sflag:s5] =	ssyncset.done $0x0  }
0x9b: {  	[sflag:s5] =	ssyncadd.s32 $0xFFFFFFFF;
	(ifvalue) =	ssetifvalue $0xFFFFFFFF;
	v4 =	vld [tilespmem:$0x10];
	_ =	sdelay $0x3  }
.Ltmp8:
0x9c: {  	_ = 	snop;
	(pc) =	sbr.rel .LBB2_4-.Ltmp8, $3  }
0x9d: {  	_ =	sdelay $0x1  }
0x9e: {  	(ifvalue) =	ssetifvalue $0xFFFFFFFF  }
0x9f: {  	[hbm4b:s1+s14] =	stream.indirect_vreg.scatter [tilespmem:s19], [sflag:$0x9], $0x1, v4, vm0, $0x4038;
	[tilespmem:$0xA20] =	vst v63  }
.LBB2_12:
0xa0: {  	s0 =	simm.s32 $0x2  }
0xa1: {  	_ =	swait.ge [sflag:s0], $0x100  }
0xa2: {  	[sflag:s0] =	ssyncset.done $0x0  }
0xa3: {  	s31 =	simm.s32 $0x9;
	[sflag:s0] =	ssyncadd.s32 $0xFFFFFF00  }
0xa4: {  	_ =	swait.ge [sflag:s31], $0x10  }
0xa5: {  	[sflag:s31] =	ssyncset.done $0x0  }
0xa6: {  	[sflag:s31] =	ssyncadd.s32 $0xFFFFFFF0  }
.LBB2_13:
0xa7: {  	_ =	sfence.sel $0x180000  }
0xa8: {  	s0 =	simm.s32 $0x7;
	[bflag:$0x0] =	sbarrier.arrive $0xFFFF  }
0xa9: {  	s26 =	simm.s32 $0x8;
	[sflag:s0] =	ssyncpa.u1 $0x1  }
0xaa: {  	s28 =	simm.s32 $0x9;
	[sflag:s26] =	ssyncpa.u1 $0x1  }
0xab: {  	[sflag:s28] =	ssyncpa.u1 $0x1  }
0xac: {  	_ =	sfence.stream.spmem  }
0xad: {  	s29 =	simm.s32 $0x3;
	[bflag:$0x0] =	sbarrier.arrive $0xFFFF  }
0xae: {  	s30 =	simm.s32 $0x4;
	[sflag:s29] =	ssyncpa.u1 $0x1  }
0xaf: {  	s31 =	simm.s32 $0x3C;
	s2 =	stileid.u32;
	[sflag:s30] =	ssyncpa.u1 $0x1  }
0xb0: {  	p0 =	sne.s32 s2, $0x0;
	[sflag:s31] =	ssyncpa.u1 $0x1  }
0xb1: {  	s0 =	simm.s32 @p0 $0x1;
	_ =	sfence @p0  }
0xb2: {  	[sflag:s0] =	ssyncpa.u1 @p0 $0x1;
	s0 =	simm.s32 @p0 $0x2  }
0xb3: {  	[sflag:s0] =	ssyncpa.u1 @p0 $0x1  }
0xb4: {  	_ =	strace @p0 $0x90000047  }
0xb5: {  	[bflag:$0x2] =	sbarrier.arrive @p0 $0xFFFF  }
0xb6: {  	_ =	shalt @p0  }
.LBB2_14:
0xb7: {  	_ =	sfence.stream.spmem;
	s0 =	simm.s32 $0x5  }
0xb8: {  	s2 =	simm.s32 $0x80;
	s3 =	simm.s32 $0xC0;
	[sflag:s0] =	ssyncpa.u1 $0x0  }
0xb9: {  	[tilespmem:s3], [sflag:$0x5] =	stream.linear.gather [spmem:s2], $0x20, $0x38;
	[tilespmem:$0xA20] =	vst v63  }
0xba: {  	s30 =	simm.s32 $0xE0;
	s2 =	simm.s32 $0x0  }
0xbb: {  	[tilespmem:s30], [sflag:$0x5] =	stream.linear.gather [spmem:s2], $0x20, $0x38;
	[tilespmem:$0xA20] =	vst v63  }
.Ltmp9:
0xbc: {  	_ = 	snop;
	(pc) =	sbr.rel .LBB2_15-.Ltmp9, $4  }
0xbd: {  	_ =	swait.ge [sflag:s0], $0x40  }
0xbe: {  	[sflag:s0] =	ssyncset.done $0x0  }
0xbf: {  	s31 =	simm.s32 $0x6;
	[sflag:s0] =	ssyncadd.s32 $0xFFFFFFC0  }
0xc0: {  	s3 =	simm.s32 $0x0;
	[sflag:s31] =	ssyncpa.u1 $0x0  }
.LBB2_20:
0xc1: {  	p0 =	sgt.u32 s4, $0x3FF  }
0xc2: {  	s0 =	sshrl.u32 @!p0 s4, $0x3  }
0xc3: {  	s4 =	sand.u32 @!p0 $0x7, s4;
	s5 =	simm.s32 @!p0 $0xB0;
	s0 =	sadd.s32 @!p0 s1, s0  }
0xc4: {  	[tilespmem:s5], [sflag:$0x6] =	stream.linear.gather @!p0 [hbm4b:s0+s4], $0x1, $0x38;
	[tilespmem:$0xA20] =	vst v63  }
0xc5: {  	s0 =	simm.s32 @!p0 $0x6  }
0xc6: {  	_ =	swait.ge @!p0 [sflag:s0], $0x1  }
0xc7: {  	[sflag:s0] =	ssyncset.done @!p0 $0x0  }
0xc8: {  	[sflag:s0] =	ssyncadd.s32 @!p0 $0xFFFFFFFF  }
0xc9: {  	v1 =	vld.msk @!p0 [tilespmem:$0xB0], $0x1  }
0xca: {  	v2 =	vld.msk @!p0 [tilespmem:s3+$0xE0], $0x1;
	_ =	sdelay $0x4  }
0xcb: {  	v1 =	vmax.f32 @!p0 v2, v1  }
0xcc: {  	[tilespmem:s3+$0xE0] =	vst.msk @!p0 $0x1, v1  }
0xcd: {  	[tilespmem:s2+$0xC0] =	vst.msk $0x1, v0  }
0xce: {  	v0 =	vld.msk [tilespmem:s3+$0xE0], $0x1;
	_ =	sdelay $0x4  }
0xcf: {  	[tilespmem:s2+$0xE0] =	vst.msk $0x1, v0;
	s2 =	sadd.s32 $0x1, s2  }
.LBB2_22:
0xd0: {  	s3 =	sadd.s32 $0x1, s3  }
0xd1: {  	p0 =	sne.s32 s3, $0x20  }
.Ltmp10:
0xd2: {  	_ = 	snop;
	(pc) =	sbr.rel @!p0 .LBB2_23-.Ltmp10, $1  }
0xd3: {  	_ =	sdelay $0x3  }
.LBB2_15:
0xd4: {  	v0 =	vld.msk [tilespmem:s3+$0xC0], $0x1;
	_ =	sdelay $0x4  }
0xd5: {  	(v2sf) =	vpush v0, $0x0;
	_ =	sdelay $0xe  }
0xd6: {  	s4 =	spop (v2sf)  }
0xd7: {  	p0 =	seq.s32 s4, $0xFFFFFFFF  }
.Ltmp11:
0xd8: {  	_ = 	snop;
	(pc) =	sbr.rel @p0 .LBB2_22-.Ltmp11, $1  }
0xd9: {  	_ =	sdelay $0x3  }
0xda: {  	p0 =	slt.s32 s2, $0x1  }
.Ltmp12:
0xdb: {  	_ = 	snop;
	(pc) =	sbr.rel @p0 .LBB2_20-.Ltmp12, $1  }
0xdc: {  	_ =	sdelay $0x3  }
0xdd: {  	s0 =	simm.s32 $0xC0;
	p0 =	por $0x0, $0x0  }
0xde: {  	v1 =	vld.msk @!p0 [tilespmem:s0+$0x0], $0x1;
	_ =	sdelay $0x4  }
0xdf: {  	(v2sf) =	vpush @!p0 v1, $0x0;
	_ =	sdelay $0xd  }
0xe0: {  	p2 =	sne.s32 s2, $0x1  }
.Ltmp13:
0xe1: {  	s5 =	spop @!p0 (v2sf);
	(pc) =	sbr.rel @!p2 .LBB2_19-.Ltmp13, $4  }
0xe2: {  	p1 =	seq.s32 @!p0 s4, s5  }
0xe3: {  	s5 =	simm.s32 $0x0;
	p1 =	por !p1, p0  }
0xe4: {  	s7 =	simm.s32 $0xFFFFFFFF;
	s5 =	simm.s32 @p1 $0xFFFFFFFF  }
0xe5: {  	s6 =	simm.s32 $0x1;
	s5 =	smov.u32 @p0 s7  }
.LBB2_18:
0xe6: {  	s7 =	smov.u32 s5;
	p0 =	sne.s32 s5, $0xFFFFFFFF  }
0xe7: {  	s0 =	sadd.s32 $0x1, s0;
	s5 =	smov.u32 s6;
	s6 =	sadd.s32 $0x1, s6  }
0xe8: {  	p1 =	sne.s32 s2, s6;
	v1 =	vld.msk @!p0 [tilespmem:s0+$0x0], $0x1;
	_ =	sdelay $0x4  }
0xe9: {  	(v2sf) =	vpush @!p0 v1, $0x0;
	_ =	sdelay $0xe  }
.Ltmp14:
0xea: {  	s8 =	spop @!p0 (v2sf);
	(pc) =	sbr.rel @p1 .LBB2_18-.Ltmp14, $4  }
0xeb: {  	p2 =	seq.s32 @!p0 s4, s8  }
0xec: {  	p2 =	por !p2, p0  }
0xed: {  	s5 =	simm.s32 @p2 $0xFFFFFFFF  }
0xee: {  	s5 =	smov.u32 @p0 s7  }
.LBB2_19:
0xef: {  	p0 =	sne.s32 s5, $0xFFFFFFFF  }
.Ltmp15:
0xf0: {  	_ = 	snop;
	(pc) =	sbr.rel @!p0 .LBB2_20-.Ltmp15, $1  }
0xf1: {  	_ =	sdelay $0x3  }
0xf2: {  	v0 =	vld.msk [tilespmem:s3+$0xE0], $0x1  }
0xf3: {  	v1 =	vld.msk [tilespmem:s5+$0xE0], $0x1;
	_ =	sdelay $0x1  }
.Ltmp16:
0xf4: {  	_ = 	snop;
	(pc) =	sbr.rel .LBB2_22-.Ltmp16, $3  }
0xf5: {  	_ =	sdelay $0x1  }
0xf6: {  	v0 =	vmax.f32 v1, v0  }
0xf7: {  	[tilespmem:s5+$0xE0] =	vst.msk $0x1, v0  }
.LBB2_23:
0xf8: {  	p0 =	slt.s32 s2, $0x1  }
.Ltmp17:
0xf9: {  	_ = 	snop;
	(pc) =	sbr.rel @p0 .LBB2_27-.Ltmp17, $3  }
0xfa: {  	_ =	sdelay $0x1  }
0xfb: {  	s0 =	simm.s32 $0x6  }
0xfc: {  	s3 =	simm.s32 $0x0;
	[sflag:s0] =	ssyncpa.u1 $0x1  }
0xfd: {  	s0 =	simm.s32 $0xC0  }
0xfe: {  	v0 =	vld.msk [tilespmem:s0+$0x0], $0x1;
	_ =	sdelay $0x4  }
0xff: {  	(v2sf) =	vpush v0, $0x0;
	_ =	sdelay $0xe  }
0x100: {  	s2 =	sadd.s32 $0xFFFFFFFF, s2;
	s4 =	spop (v2sf)  }
0x101: {  	p1 =	sne.s32 s2, $0x0;
	p0 =	sgt.u32 s4, $0x3FF  }
.Ltmp18:
0x102: {  	s5 =	sshrl.u32 @!p0 s4, $0x3;
	(pc) =	sbr.rel @!p1 .LBB2_26-.Ltmp18, $4  }
0x103: {  	s0 =	simm.s32 $0xE0;
	s4 =	sand.u32 @!p0 $0x7, s4;
	s5 =	sadd.s32 @!p0 s1, s5  }
0x104: {  	[hbm4b:s5+s4] =	stream.linear.scatter @!p0 [tilespmem:s0], [sflag:$0x5], $0x1, $0x38;
	[tilespmem:$0xA20] =	vst v63  }
0x105: {  	s5 =	simm.s32 $0x0  }
0x106: {  	s4 =	simm.s32 $0xC1;
	s5 =	simm.s32 @!p0 $0x4  }
.LBB2_25:
0x107: {  	v0 =	vld.msk [tilespmem:s4+$0x0], $0x1;
	s2 =	sadd.s32 $0xFFFFFFFF, s2;
	s3 =	sadd.s32 s3, s5  }
0x108: {  	p0 =	sne.s32 s2, $0x0;
	_ =	sdelay $0x3  }
0x109: {  	(v2sf) =	vpush v0, $0x0;
	_ =	sdelay $0xe  }
.Ltmp19:
0x10a: {  	s6 =	spop (v2sf);
	(pc) =	sbr.rel @p0 .LBB2_25-.Ltmp19, $4  }
0x10b: {  	s5 =	simm.s32 $0x0;
	p1 =	sgt.u32 s6, $0x3FF  }
0x10c: {  	s0 =	sadd.s32 $0x1, s0;
	s5 =	simm.s32 @!p1 $0x4;
	s7 =	sshrl.u32 @!p1 s6, $0x3  }
0x10d: {  	s4 =	sadd.s32 $0x1, s4;
	s6 =	sand.u32 @!p1 $0x7, s6;
	s7 =	sadd.s32 @!p1 s1, s7  }
0x10e: {  	[hbm4b:s7+s6] =	stream.linear.scatter @!p1 [tilespmem:s0], [sflag:$0x5], $0x1, $0x38;
	[tilespmem:$0xA20] =	vst v63  }
.LBB2_26:
0x10f: {  	s0 =	sadd.s32 s3, s5  }
0x110: {  	s3 =	sshrl.u32 s0, $0x2  }
.LBB2_27:
0x111: {  	s0 =	simm.s32 $0x5  }
0x112: {  	_ =	swait.ge [sflag:s0], s3  }
0x113: {  	s1 =	ssub.s32 $0x0, s3;
	[sflag:s0] =	ssyncset.done $0x0  }
0x114: {  	[sflag:s0] =	ssyncadd.s32 s1  }
0x115: {  	[sflag:s0] =	ssyncpa.u1 $0x1  }
0x116: {  	s29 =	simm.s32 $0x1;
	_ =	sfence  }
0x117: {  	s30 =	simm.s32 $0x2;
	[sflag:s29] =	ssyncpa.u1 $0x1  }
0x118: {  	[sflag:s30] =	ssyncpa.u1 $0x1  }
0x119: {  	_ =	strace $0x90000047  }
0x11a: {  	[bflag:$0x2] =	sbarrier.arrive $0xFFFF  }
0x11b: {  	s31 =	rddreg [dreg:$0x3]  }
0x11c: {  	s0 =	sadd.s32 $0x100000, s31  }
0x11d: {  	[sflag:s0] =	ssyncadd.tile.s32 $0x1;
	_ =	shalt  }
.Lfunc_end2:
_tile_overlayer_lowered:
.L_overlay_start_2:
0x11e: {  	(tag) =	ssettag $0x2  }
0x11f: {  	s0 =	rddreg [dreg:$0x0];
	s2 =	stileid.u32  }
0x120: {  	s1 =	rddreg [dreg:$0x1];
	p0 =	sne.s32 s2, $0x0  }
0x121: {  	s3 =	rddreg [dreg:$0x2];
	[bflag:$0x3] =	sbarrier.arrive $0xFFFF;
	s2 =	simm.s32 @!p0 $0x1C01  }
0x122: {  	[timem:s3], [sflag:s2] =	dma.local @!p0 [hbm:s0], s1  }
0x123: {  	s0 =	simm.s32 @!p0 $0x1  }
0x124: {  	_ =	swait.ge @!p0 [sflag:s0], s1  }
0x125: {  	s1 =	ssub.s32 @!p0 $0x0, s1;
	[sflag:s0] =	ssyncset.done @!p0 $0x0  }
0x126: {  	[sflag:s0] =	ssyncadd.s32 @!p0 s1  }
0x127: {  	[bflag:$0x3] =	sbarrier.arrive $0xFFFF  }
0x128: {  	_ =	shalt  }

</sc_bundles>
